<compile_context>
chip_gen: v7x
topology: tpu7x:2x2x1
jax: 0.10.2.dev20260603
libtpu: 0.0.44.dev20260713+nightly
codegen_flags: <defaults>
</compile_context>

<pallas_src>
import functools

import jax
import jax.numpy as jnp
from jax import lax
from jax.experimental import pallas as pl
from jax.experimental.pallas import tpu as pltpu
from jax.experimental.pallas import tpu_sc as plsc

EMB_D = 256
N_CODES = 8192
N_IMG = 16
HW = 1024
N_PIX = N_IMG * HW
P_BLK = 1024
_BOUNDS = (0, 512, 1024, 1536, 2048, 2560, 2816,
           3072, 3584, 4096, 4608, 5120, 5632,
           6144, 6656, 7168, 7680, 8192)
_ROUND_AFTER = (2816, 5632)
_INV_NUMEL = 1.0 / float(N_PIX * EMB_D)

_SC_NC = 2
_SC_NS = 16
_NW = _SC_NC * _SC_NS
_BPW = N_PIX // _NW
_GCH = 256
_NGC = _BPW // _GCH


def _vq_argmin_kernel(x_ref, e_ref, a_ref, b_ref, idx_ref, loss_ref):
    n = pl.program_id(0)
    x2 = x_ref[...] * 2.0
    a = a_ref[...]
    run_min = jnp.full((P_BLK, 1), jnp.inf, jnp.float32)
    run_idx = jnp.zeros((P_BLK, 1), jnp.float32)
    base = lax.broadcasted_iota(jnp.int32, (P_BLK, 512), 1).astype(jnp.float32)
    for lo, hi in zip(_BOUNDS[:-1], _BOUNDS[1:]):
        w = hi - lo
        ej = e_ref[lo:hi, :]
        bj = b_ref[:, lo:hi]
        m2 = lax.dot_general(x2, ej, (((1,), (1,)), ((), ())),
                             preferred_element_type=jnp.float32)
        dist = (a + bj) - m2
        bmin = jnp.min(dist, axis=1, keepdims=True)
        bidx = jnp.min(jnp.where(dist == bmin, base[:, :w], float(N_CODES)),
                       axis=1, keepdims=True) + float(lo)
        better = bmin < run_min
        run_min = jnp.where(better, bmin, run_min)
        run_idx = jnp.where(better, bidx, run_idx)
        if hi in _ROUND_AFTER:
            run_min = run_min.astype(jnp.bfloat16).astype(jnp.float32)
    idx_ref[...] = run_idx.astype(jnp.int32)

    @pl.when(n == 0)
    def _():
        loss_ref[...] = jnp.zeros_like(loss_ref)

    loss_ref[...] += jnp.sum(run_min) * _INV_NUMEL


_vq_argmin = pl.pallas_call(
    _vq_argmin_kernel,
    grid=(N_PIX // P_BLK,),
    in_specs=[
        pl.BlockSpec((P_BLK, EMB_D), lambda n: (n, 0)),
        pl.BlockSpec((N_CODES, EMB_D), lambda n: (0, 0)),
        pl.BlockSpec((P_BLK, 1), lambda n: (n, 0)),
        pl.BlockSpec((1, N_CODES), lambda n: (0, 0)),
    ],
    out_specs=[
        pl.BlockSpec((P_BLK, 1), lambda n: (n, 0)),
        pl.BlockSpec((1, 1), lambda n: (0, 0)),
    ],
    out_shape=[
        jax.ShapeDtypeStruct((N_PIX, 1), jnp.int32),
        jax.ShapeDtypeStruct((1, 1), jnp.float32),
    ],
    compiler_params=pltpu.CompilerParams(
        dimension_semantics=("arbitrary",),
    ),
)


@functools.cache
def _make_sc_gather():
    mesh = plsc.VectorSubcoreMesh(core_axis_name="c", subcore_axis_name="s")

    @functools.partial(
        pl.kernel,
        mesh=mesh,
        out_type=jax.ShapeDtypeStruct((N_PIX, EMB_D), jnp.float32),
        scratch_types=[
            pltpu.VMEM((_NGC, _GCH), jnp.int32),
            pltpu.VMEM((_GCH, EMB_D), jnp.float32),
            pltpu.SemaphoreType.DMA,
        ],
        compiler_params=pltpu.CompilerParams(use_tc_tiling_on_sc=False),
    )
    def gather_k(table_hbm, idx_hbm, out_hbm, idx_v, rows_v, sem):
        wid = lax.axis_index("s") * _SC_NC + lax.axis_index("c")
        base = wid * _BPW
        pltpu.sync_copy(idx_hbm.at[wid], idx_v)
        for j in range(_NGC):
            pltpu.async_copy(table_hbm.at[idx_v.at[j]], rows_v, sem).wait()
            pltpu.sync_copy(rows_v, out_hbm.at[pl.ds(base + j * _GCH, _GCH)])

    return gather_k


def kernel(inputs, embedding_weight):
    flat = jnp.transpose(inputs, (0, 2, 3, 1)).reshape(-1, EMB_D)
    a = jnp.sum(flat ** 2, axis=1).reshape(N_PIX, 1)
    b = jnp.sum(embedding_weight ** 2, axis=1).reshape(1, N_CODES)
    idx2, loss2 = _vq_argmin(flat, embedding_weight, a, b)
    idx_w = idx2.reshape(_NW, _NGC, _GCH)
    q = _make_sc_gather()(embedding_weight, idx_w)
    out = jnp.transpose(q.reshape(N_IMG, 32, 32, EMB_D), (0, 3, 1, 2))
    return out, loss2[0, 0]

# --- scband reference (transcript-rebuilt; emitter-appended) ---
"""Pipeline reference for scband-vector-quantizer-816043786769 (READ-ONLY COPY).

The authoritative reference and input builder live on the scoring server;
editing this copy changes nothing except your own understanding.
"""

import jax, jax.numpy as jnp
import numpy as np

EMBEDDING_DIM = 256
N_EMBEDDINGS = 8192

def setup_inputs(seed: int = 0) -> dict:
    key = jax.random.key(seed)
    k1, k2 = jax.random.split(key)
    inputs = jax.random.normal(k1, (16, 256, 32, 32), dtype=jnp.float32)
    embedding_weight = jax.random.normal(k2, (N_EMBEDDINGS, EMBEDDING_DIM), dtype=jnp.float32)
    return {"inputs": inputs, "embedding_weight": embedding_weight}

def reference(inputs, embedding_weight):
    # NCHW -> NHWC
    x = jnp.transpose(inputs, (0, 2, 3, 1))
    input_shape = x.shape
    flat_input = x.reshape(-1, EMBEDDING_DIM)
    # squared L2 distances to every codebook entry
    distances = (jnp.sum(flat_input ** 2, axis=1, keepdims=True)
                 + jnp.sum(embedding_weight ** 2, axis=1)
                 - 2.0 * jnp.matmul(flat_input, embedding_weight.T))
    encoding_indices = jnp.argmin(distances, axis=1)
    encodings = jax.nn.one_hot(encoding_indices, N_EMBEDDINGS, dtype=flat_input.dtype)
    quantized = jnp.matmul(encodings, embedding_weight).reshape(input_shape)
    # eval mode: no EMA buffer updates
    e_latent_loss = jnp.mean((jax.lax.stop_gradient(quantized) - x) ** 2)
    quantized_st = x + jax.lax.stop_gradient(quantized - x)
    out = jnp.transpose(quantized_st, (0, 3, 1, 2))
    return out, e_latent_loss

if __name__ == "__main__":
    import jax
    _d = setup_inputs()
    print(jax.jit(kernel)(*tuple(_d.values())))

</pallas_src>

<mosaic_0001>
#map = affine_map<(d0, d1) -> (0, 0)>
#map1 = affine_map<(d0, d1) -> (0, 0, 0)>
module attributes {stable_mosaic.version = 14 : i64} {
  func.func @gather_k(%arg0: i32, %arg1: i32, %arg2: memref<8192x256xf32, #tpu.memory_space<hbm>>, %arg3: memref<32x2x256xi32, #tpu.memory_space<hbm>>, %arg4: memref<16384x256xf32, #tpu.memory_space<hbm>>, %arg5: memref<2x256xi32, #tpu.memory_space<vmem>>, %arg6: memref<256x256xf32, #tpu.memory_space<vmem>>, %arg7: memref<!tpu.dma_semaphore, #tpu.memory_space<semaphore_mem>>) attributes {dimension_semantics = [#tpu.dimension_semantics<core_parallel>, #tpu.dimension_semantics<subcore_parallel>], iteration_bounds = array<i64: 2, 16>, scalar_prefetch = 0 : i64, scratch_operands = 3 : i64, tpu.core_type = #tpu.core_type<sc_vector_subcore>, window_params = [{transform_indices = #map}, {transform_indices = #map1}, {transform_indices = #map}]} {
    %mul3A = arith.constant 2 : i32
    %mul3A_0 = arith.muli %arg1, %mul3A : i32
    %add3A = arith.addi %mul3A_0, %arg0 : i32
    %mul3A_1 = arith.constant 512 : i32
    %mul3A_2 = arith.muli %add3A, %mul3A_1 : i32
    "tpu.region"() ({
      %run_scoped3A = tpu.sem_alloc : memref<!tpu.dma_semaphore, #tpu.memory_space<semaphore_mem>>
      %dma_start3A_33 = arith.constant 0 : i32
      %dma_start3A_34 = arith.constant 0 : i32
      %dma_start3A_35 = tpu.memref_slice %arg3[%add3A, %dma_start3A_33, %dma_start3A_34] : memref<32x2x256xi32, #tpu.memory_space<hbm>> -> memref<1x2x256xi32, #tpu.memory_space<hbm>>
      %dma_start3A_36 = tpu.memref_squeeze %dma_start3A_35 : memref<1x2x256xi32, #tpu.memory_space<hbm>> -> memref<2x256xi32, #tpu.memory_space<hbm>>
      %dma_start3A_37 = arith.constant 0 : i32
      %dma_start3A_38 = arith.constant 0 : i32
      %dma_start3A_39 = tpu.memref_slice %arg3[%add3A, %dma_start3A_37, %dma_start3A_38] : memref<32x2x256xi32, #tpu.memory_space<hbm>> -> memref<1x2x256xi32, #tpu.memory_space<hbm>>
      %dma_start3A_40 = tpu.memref_squeeze %dma_start3A_39 : memref<1x2x256xi32, #tpu.memory_space<hbm>> -> memref<2x256xi32, #tpu.memory_space<hbm>>
      tpu.enqueue_dma source(%dma_start3A_40 : memref<2x256xi32, #tpu.memory_space<hbm>>) target(%arg5 : memref<2x256xi32, #tpu.memory_space<vmem>>) target_semaphore(%run_scoped3A : memref<!tpu.dma_semaphore, #tpu.memory_space<semaphore_mem>>)
      %dma_wait3A_41 = arith.constant 0 : i32
      %dma_wait3A_42 = arith.constant 0 : i32
      %dma_wait3A_43 = tpu.memref_slice %arg3[%add3A, %dma_wait3A_41, %dma_wait3A_42] : memref<32x2x256xi32, #tpu.memory_space<hbm>> -> memref<1x2x256xi32, #tpu.memory_space<hbm>>
      %dma_wait3A_44 = tpu.memref_squeeze %dma_wait3A_43 : memref<1x2x256xi32, #tpu.memory_space<hbm>> -> memref<2x256xi32, #tpu.memory_space<hbm>>
      %dma_wait3A_45 = arith.constant 0 : i32
      %dma_wait3A_46 = arith.constant 0 : i32
      %dma_wait3A_47 = tpu.memref_slice %arg3[%add3A, %dma_wait3A_45, %dma_wait3A_46] : memref<32x2x256xi32, #tpu.memory_space<hbm>> -> memref<1x2x256xi32, #tpu.memory_space<hbm>>
      %dma_wait3A_48 = tpu.memref_squeeze %dma_wait3A_47 : memref<1x2x256xi32, #tpu.memory_space<hbm>> -> memref<2x256xi32, #tpu.memory_space<hbm>>
      tpu.wait_dma2 semaphore(%run_scoped3A : memref<!tpu.dma_semaphore, #tpu.memory_space<semaphore_mem>>) src(%dma_wait3A_48 : memref<2x256xi32, #tpu.memory_space<hbm>>) dst(%arg5 : memref<2x256xi32, #tpu.memory_space<vmem>>)
      tpu.yield
    }) : () -> ()
    %dma_start3A = arith.constant 0 : i32
    %dma_start3A_3 = arith.constant 0 : i32
    %dma_start3A_4 = tpu.memref_slice %arg5[%dma_start3A, %dma_start3A_3] : memref<2x256xi32, #tpu.memory_space<vmem>> -> memref<1x256xi32, #tpu.memory_space<vmem>>
    %dma_start3A_5 = tpu.memref_squeeze %dma_start3A_4 : memref<1x256xi32, #tpu.memory_space<vmem>> -> memref<256xi32, #tpu.memory_space<vmem>>
    %dma_start3A_6 = arith.constant 0 : i32
    %dma_start3A_7 = arith.constant 0 : i32
    %dma_start3A_8 = tpu.memref_slice %arg2[%dma_start3A_6, %dma_start3A_7] : memref<8192x256xf32, #tpu.memory_space<hbm>> -> memref<8192x256xf32, #tpu.memory_space<hbm>>
    tpu.enqueue_indirect_dma source(%dma_start3A_8 : memref<8192x256xf32, #tpu.memory_space<hbm>>) target(%arg6 : memref<256x256xf32, #tpu.memory_space<vmem>>) offsets(%dma_start3A_5 : memref<256xi32, #tpu.memory_space<vmem>>) semaphore(%arg7 : memref<!tpu.dma_semaphore, #tpu.memory_space<semaphore_mem>>)
    %dma_wait3A = arith.constant 0 : i32
    %dma_wait3A_9 = arith.constant 0 : i32
    %dma_wait3A_10 = tpu.memref_slice %arg5[%dma_wait3A, %dma_wait3A_9] : memref<2x256xi32, #tpu.memory_space<vmem>> -> memref<1x256xi32, #tpu.memory_space<vmem>>
    %dma_wait3A_11 = tpu.memref_squeeze %dma_wait3A_10 : memref<1x256xi32, #tpu.memory_space<vmem>> -> memref<256xi32, #tpu.memory_space<vmem>>
    %dma_wait3A_12 = arith.constant 0 : i32
    %dma_wait3A_13 = arith.constant 0 : i32
    %dma_wait3A_14 = tpu.memref_slice %arg2[%dma_wait3A_12, %dma_wait3A_13] : memref<8192x256xf32, #tpu.memory_space<hbm>> -> memref<8192x256xf32, #tpu.memory_space<hbm>>
    tpu.wait_indirect_dma semaphore(%arg7 : memref<!tpu.dma_semaphore, #tpu.memory_space<semaphore_mem>>) src(%dma_wait3A_14 : memref<8192x256xf32, #tpu.memory_space<hbm>>) dst(%arg6 : memref<256x256xf32, #tpu.memory_space<vmem>>)
    %add3A_15 = arith.constant 0 : i32
    %add3A_16 = arith.addi %mul3A_2, %add3A_15 : i32
    "tpu.region"() ({
      %run_scoped3A = tpu.sem_alloc : memref<!tpu.dma_semaphore, #tpu.memory_space<semaphore_mem>>
      %dma_start3A_33 = arith.constant 0 : i32
      %dma_start3A_34 = tpu.memref_slice %arg4[%add3A_16, %dma_start3A_33] : memref<16384x256xf32, #tpu.memory_space<hbm>> -> memref<256x256xf32, #tpu.memory_space<hbm>>
      %dma_start3A_35 = arith.constant 0 : i32
      %dma_start3A_36 = tpu.memref_slice %arg4[%add3A_16, %dma_start3A_35] : memref<16384x256xf32, #tpu.memory_space<hbm>> -> memref<256x256xf32, #tpu.memory_space<hbm>>
      tpu.enqueue_dma source(%arg6 : memref<256x256xf32, #tpu.memory_space<vmem>>) target(%dma_start3A_36 : memref<256x256xf32, #tpu.memory_space<hbm>>) target_semaphore(%run_scoped3A : memref<!tpu.dma_semaphore, #tpu.memory_space<semaphore_mem>>)
      %dma_wait3A_37 = arith.constant 0 : i32
      %dma_wait3A_38 = tpu.memref_slice %arg4[%add3A_16, %dma_wait3A_37] : memref<16384x256xf32, #tpu.memory_space<hbm>> -> memref<256x256xf32, #tpu.memory_space<hbm>>
      %dma_wait3A_39 = arith.constant 0 : i32
      %dma_wait3A_40 = tpu.memref_slice %arg4[%add3A_16, %dma_wait3A_39] : memref<16384x256xf32, #tpu.memory_space<hbm>> -> memref<256x256xf32, #tpu.memory_space<hbm>>
      tpu.wait_dma2 semaphore(%run_scoped3A : memref<!tpu.dma_semaphore, #tpu.memory_space<semaphore_mem>>) src(%arg6 : memref<256x256xf32, #tpu.memory_space<vmem>>) dst(%dma_wait3A_40 : memref<256x256xf32, #tpu.memory_space<hbm>>)
      tpu.yield
    }) : () -> ()
    %dma_start3A_17 = arith.constant 1 : i32
    %dma_start3A_18 = arith.constant 0 : i32
    %dma_start3A_19 = tpu.memref_slice %arg5[%dma_start3A_17, %dma_start3A_18] : memref<2x256xi32, #tpu.memory_space<vmem>> -> memref<1x256xi32, #tpu.memory_space<vmem>>
    %dma_start3A_20 = tpu.memref_squeeze %dma_start3A_19 : memref<1x256xi32, #tpu.memory_space<vmem>> -> memref<256xi32, #tpu.memory_space<vmem>>
    %dma_start3A_21 = arith.constant 0 : i32
    %dma_start3A_22 = arith.constant 0 : i32
    %dma_start3A_23 = tpu.memref_slice %arg2[%dma_start3A_21, %dma_start3A_22] : memref<8192x256xf32, #tpu.memory_space<hbm>> -> memref<8192x256xf32, #tpu.memory_space<hbm>>
    tpu.enqueue_indirect_dma source(%dma_start3A_23 : memref<8192x256xf32, #tpu.memory_space<hbm>>) target(%arg6 : memref<256x256xf32, #tpu.memory_space<vmem>>) offsets(%dma_start3A_20 : memref<256xi32, #tpu.memory_space<vmem>>) semaphore(%arg7 : memref<!tpu.dma_semaphore, #tpu.memory_space<semaphore_mem>>)
    %dma_wait3A_24 = arith.constant 1 : i32
    %dma_wait3A_25 = arith.constant 0 : i32
    %dma_wait3A_26 = tpu.memref_slice %arg5[%dma_wait3A_24, %dma_wait3A_25] : memref<2x256xi32, #tpu.memory_space<vmem>> -> memref<1x256xi32, #tpu.memory_space<vmem>>
    %dma_wait3A_27 = tpu.memref_squeeze %dma_wait3A_26 : memref<1x256xi32, #tpu.memory_space<vmem>> -> memref<256xi32, #tpu.memory_space<vmem>>
    %dma_wait3A_28 = arith.constant 0 : i32
    %dma_wait3A_29 = arith.constant 0 : i32
    %dma_wait3A_30 = tpu.memref_slice %arg2[%dma_wait3A_28, %dma_wait3A_29] : memref<8192x256xf32, #tpu.memory_space<hbm>> -> memref<8192x256xf32, #tpu.memory_space<hbm>>
    tpu.wait_indirect_dma semaphore(%arg7 : memref<!tpu.dma_semaphore, #tpu.memory_space<semaphore_mem>>) src(%dma_wait3A_30 : memref<8192x256xf32, #tpu.memory_space<hbm>>) dst(%arg6 : memref<256x256xf32, #tpu.memory_space<vmem>>)
    %add3A_31 = arith.constant 256 : i32
    %add3A_32 = arith.addi %mul3A_2, %add3A_31 : i32
    "tpu.region"() ({
      %run_scoped3A = tpu.sem_alloc : memref<!tpu.dma_semaphore, #tpu.memory_space<semaphore_mem>>
      %dma_start3A_33 = arith.constant 0 : i32
      %dma_start3A_34 = tpu.memref_slice %arg4[%add3A_32, %dma_start3A_33] : memref<16384x256xf32, #tpu.memory_space<hbm>> -> memref<256x256xf32, #tpu.memory_space<hbm>>
      %dma_start3A_35 = arith.constant 0 : i32
      %dma_start3A_36 = tpu.memref_slice %arg4[%add3A_32, %dma_start3A_35] : memref<16384x256xf32, #tpu.memory_space<hbm>> -> memref<256x256xf32, #tpu.memory_space<hbm>>
      tpu.enqueue_dma source(%arg6 : memref<256x256xf32, #tpu.memory_space<vmem>>) target(%dma_start3A_36 : memref<256x256xf32, #tpu.memory_space<hbm>>) target_semaphore(%run_scoped3A : memref<!tpu.dma_semaphore, #tpu.memory_space<semaphore_mem>>)
      %dma_wait3A_37 = arith.constant 0 : i32
      %dma_wait3A_38 = tpu.memref_slice %arg4[%add3A_32, %dma_wait3A_37] : memref<16384x256xf32, #tpu.memory_space<hbm>> -> memref<256x256xf32, #tpu.memory_space<hbm>>
      %dma_wait3A_39 = arith.constant 0 : i32
      %dma_wait3A_40 = tpu.memref_slice %arg4[%add3A_32, %dma_wait3A_39] : memref<16384x256xf32, #tpu.memory_space<hbm>> -> memref<256x256xf32, #tpu.memory_space<hbm>>
      tpu.wait_dma2 semaphore(%run_scoped3A : memref<!tpu.dma_semaphore, #tpu.memory_space<semaphore_mem>>) src(%arg6 : memref<256x256xf32, #tpu.memory_space<vmem>>) dst(%dma_wait3A_40 : memref<256x256xf32, #tpu.memory_space<hbm>>)
      tpu.yield
    }) : () -> ()
    return
  }
}

module attributes {stable_mosaic.version = 14 : i64} {
  func.func @_vq_argmin_kernel(%arg0: i32, %arg1: memref<1024x256xf32, #tpu.memory_space<vmem>>, %arg2: memref<8192x256xf32, #tpu.memory_space<vmem>>, %arg3: memref<1024x1xf32, #tpu.memory_space<vmem>>, %arg4: memref<1x8192xf32, #tpu.memory_space<vmem>>, %arg5: memref<1024x1xi32, #tpu.memory_space<vmem>>, %arg6: memref<1x1xf32, #tpu.memory_space<vmem>>) attributes {dimension_semantics = [#tpu.dimension_semantics<arbitrary>], iteration_bounds = array<i64: 16>, scalar_prefetch = 0 : i64, scratch_operands = 0 : i64, tpu.core_type = #tpu.core_type<tc>, window_params = [{transform_indices = @transform_0, window_bounds = array<i64: 1024, 256>}, {pipeline_mode = #tpu.pipeline_mode<synchronous>, transform_indices = @transform_1, window_bounds = array<i64: 8192, 256>}, {transform_indices = @transform_2, window_bounds = array<i64: 1024, 1>}, {pipeline_mode = #tpu.pipeline_mode<synchronous>, transform_indices = @transform_3, window_bounds = array<i64: 1, 8192>}, {transform_indices = @transform_4, window_bounds = array<i64: 1024, 1>}, {pipeline_mode = #tpu.pipeline_mode<synchronous>, transform_indices = @transform_5, window_bounds = array<i64: 1, 1>}]} {
    %get3A = arith.constant 0 : index
    %get3A_0 = arith.constant 0 : index
    %get3A_1 = vector.load %arg1[%get3A, %get3A_0] : memref<1024x256xf32, #tpu.memory_space<vmem>>, vector<1024x256xf32>
    %mul3A = arith.constant 2.000000e+00 : f32
    %mul3A_2 = vector.broadcast %mul3A : f32 to vector<1024x256xf32>
    %mul3A_3 = arith.mulf %get3A_1, %mul3A_2 : vector<1024x256xf32>
    %get3A_4 = arith.constant 0 : index
    %get3A_5 = arith.constant 0 : index
    %get3A_6 = vector.load %arg3[%get3A_4, %get3A_5] : memref<1024x1xf32, #tpu.memory_space<vmem>>, vector<1024x1xf32>
    %broadcast_in_dim3A = arith.constant 0x7F800000 : f32
    %broadcast_in_dim3A_7 = vector.broadcast %broadcast_in_dim3A : f32 to vector<1024x1xf32>
    %broadcast_in_dim3A_8 = arith.constant 0.000000e+00 : f32
    %broadcast_in_dim3A_9 = vector.broadcast %broadcast_in_dim3A_8 : f32 to vector<1024x1xf32>
    %iota3A = tpu.iota {dimensions = array<i32: 1>} : vector<1024x512xi32>
    %convert_element_type3A = arith.sitofp %iota3A : vector<1024x512xi32> to vector<1024x512xf32>
    %get3A_10 = arith.constant 0 : index
    %get3A_11 = arith.constant 0 : index
    %get3A_12 = vector.load %arg2[%get3A_10, %get3A_11] : memref<8192x256xf32, #tpu.memory_space<vmem>>, vector<512x256xf32>
    %get3A_13 = arith.constant 0 : index
    %get3A_14 = arith.constant 0 : index
    %get3A_15 = vector.load %arg4[%get3A_13, %get3A_14] : memref<1x8192xf32, #tpu.memory_space<vmem>>, vector<1x512xf32>
    %dot_general3A = arith.constant dense<0.000000e+00> : vector<1024x512xf32>
    %dot_general3A_16 = tpu.matmul %mul3A_3, %get3A_12, %dot_general3A {dimension_numbers = #tpu.dot_dimension_numbers<[1], [1], [0], [0], [0, 0, 1, 0], [], []>, transpose_lhs_hint = false} : vector<1024x256xf32>, vector<512x256xf32>, vector<1024x512xf32> -> vector<1024x512xf32>
    %add3A = vector.broadcast %get3A_6 : vector<1024x1xf32> to vector<1024x512xf32>
    %add3A_17 = vector.broadcast %get3A_15 : vector<1x512xf32> to vector<1024x512xf32>
    %add3A_18 = arith.addf %add3A, %add3A_17 : vector<1024x512xf32>
    %sub3A = arith.subf %add3A_18, %dot_general3A_16 : vector<1024x512xf32>
    %reduce_min3A = arith.constant dense<0x7F800000> : vector<1024xf32>
    %reduce_min3A_19 = vector.multi_reduction <minimumf>, %sub3A, %reduce_min3A [1] : vector<1024x512xf32> to vector<1024xf32>
    %broadcast_in_dim3A_20 = vector.shape_cast %reduce_min3A_19 : vector<1024xf32> to vector<1024x1xf32>
    %eq3A = vector.broadcast %broadcast_in_dim3A_20 : vector<1024x1xf32> to vector<1024x512xf32>
    %eq3A_21 = arith.cmpf oeq, %sub3A, %eq3A : vector<1024x512xf32>
    %jit3A = arith.constant 8.192000e+03 : f32
    %broadcast_in_dim3A_22 = vector.broadcast %jit3A : f32 to vector<1024x512xf32>
    %select_n3A = arith.select %eq3A_21, %convert_element_type3A, %broadcast_in_dim3A_22 : vector<1024x512xi1>, vector<1024x512xf32>
    %reduce_min3A_23 = arith.constant dense<0x7F800000> : vector<1024xf32>
    %reduce_min3A_24 = vector.multi_reduction <minimumf>, %select_n3A, %reduce_min3A_23 [1] : vector<1024x512xf32> to vector<1024xf32>
    %broadcast_in_dim3A_25 = vector.shape_cast %reduce_min3A_24 : vector<1024xf32> to vector<1024x1xf32>
    %add3A_26 = arith.constant 0.000000e+00 : f32
    %add3A_27 = vector.broadcast %add3A_26 : f32 to vector<1024x1xf32>
    %add3A_28 = arith.addf %broadcast_in_dim3A_25, %add3A_27 : vector<1024x1xf32>
    %lt3A = arith.cmpf olt, %broadcast_in_dim3A_20, %broadcast_in_dim3A_7 : vector<1024x1xf32>
    %select_n3A_29 = arith.select %lt3A, %broadcast_in_dim3A_20, %broadcast_in_dim3A_7 : vector<1024x1xi1>, vector<1024x1xf32>
    %select_n3A_30 = arith.select %lt3A, %add3A_28, %broadcast_in_dim3A_9 : vector<1024x1xi1>, vector<1024x1xf32>
    %get3A_31 = arith.constant 512 : index
    %get3A_32 = arith.constant 0 : index
    %get3A_33 = vector.load %arg2[%get3A_31, %get3A_32] : memref<8192x256xf32, #tpu.memory_space<vmem>>, vector<512x256xf32>
    %get3A_34 = arith.constant 0 : index
    %get3A_35 = arith.constant 512 : index
    %get3A_36 = vector.load %arg4[%get3A_34, %get3A_35] : memref<1x8192xf32, #tpu.memory_space<vmem>>, vector<1x512xf32>
    %dot_general3A_37 = arith.constant dense<0.000000e+00> : vector<1024x512xf32>
    %dot_general3A_38 = tpu.matmul %mul3A_3, %get3A_33, %dot_general3A_37 {dimension_numbers = #tpu.dot_dimension_numbers<[1], [1], [0], [0], [0, 0, 1, 0], [], []>, transpose_lhs_hint = false} : vector<1024x256xf32>, vector<512x256xf32>, vector<1024x512xf32> -> vector<1024x512xf32>
    %add3A_39 = vector.broadcast %get3A_6 : vector<1024x1xf32> to vector<1024x512xf32>
    %add3A_40 = vector.broadcast %get3A_36 : vector<1x512xf32> to vector<1024x512xf32>
    %add3A_41 = arith.addf %add3A_39, %add3A_40 : vector<1024x512xf32>
    %sub3A_42 = arith.subf %add3A_41, %dot_general3A_38 : vector<1024x512xf32>
    %reduce_min3A_43 = arith.constant dense<0x7F800000> : vector<1024xf32>
    %reduce_min3A_44 = vector.multi_reduction <minimumf>, %sub3A_42, %reduce_min3A_43 [1] : vector<1024x512xf32> to vector<1024xf32>
    %broadcast_in_dim3A_45 = vector.shape_cast %reduce_min3A_44 : vector<1024xf32> to vector<1024x1xf32>
    %eq3A_46 = vector.broadcast %broadcast_in_dim3A_45 : vector<1024x1xf32> to vector<1024x512xf32>
    %eq3A_47 = arith.cmpf oeq, %sub3A_42, %eq3A_46 : vector<1024x512xf32>
    %jit3A_48 = arith.constant 8.192000e+03 : f32
    %broadcast_in_dim3A_49 = vector.broadcast %jit3A_48 : f32 to vector<1024x512xf32>
    %select_n3A_50 = arith.select %eq3A_47, %convert_element_type3A, %broadcast_in_dim3A_49 : vector<1024x512xi1>, vector<1024x512xf32>
    %reduce_min3A_51 = arith.constant dense<0x7F800000> : vector<1024xf32>
    %reduce_min3A_52 = vector.multi_reduction <minimumf>, %select_n3A_50, %reduce_min3A_51 [1] : vector<1024x512xf32> to vector<1024xf32>
    %broadcast_in_dim3A_53 = vector.shape_cast %reduce_min3A_52 : vector<1024xf32> to vector<1024x1xf32>
    %add3A_54 = arith.constant 5.120000e+02 : f32
    %add3A_55 = vector.broadcast %add3A_54 : f32 to vector<1024x1xf32>
    %add3A_56 = arith.addf %broadcast_in_dim3A_53, %add3A_55 : vector<1024x1xf32>
    %lt3A_57 = arith.cmpf olt, %broadcast_in_dim3A_45, %select_n3A_29 : vector<1024x1xf32>
    %select_n3A_58 = arith.select %lt3A_57, %broadcast_in_dim3A_45, %select_n3A_29 : vector<1024x1xi1>, vector<1024x1xf32>
    %select_n3A_59 = arith.select %lt3A_57, %add3A_56, %select_n3A_30 : vector<1024x1xi1>, vector<1024x1xf32>
    %get3A_60 = arith.constant 1024 : index
    %get3A_61 = arith.constant 0 : index
    %get3A_62 = vector.load %arg2[%get3A_60, %get3A_61] : memref<8192x256xf32, #tpu.memory_space<vmem>>, vector<512x256xf32>
    %get3A_63 = arith.constant 0 : index
    %get3A_64 = arith.constant 1024 : index
    %get3A_65 = vector.load %arg4[%get3A_63, %get3A_64] : memref<1x8192xf32, #tpu.memory_space<vmem>>, vector<1x512xf32>
    %dot_general3A_66 = arith.constant dense<0.000000e+00> : vector<1024x512xf32>
    %dot_general3A_67 = tpu.matmul %mul3A_3, %get3A_62, %dot_general3A_66 {dimension_numbers = #tpu.dot_dimension_numbers<[1], [1], [0], [0], [0, 0, 1, 0], [], []>, transpose_lhs_hint = false} : vector<1024x256xf32>, vector<512x256xf32>, vector<1024x512xf32> -> vector<1024x512xf32>
    %add3A_68 = vector.broadcast %get3A_6 : vector<1024x1xf32> to vector<1024x512xf32>
    %add3A_69 = vector.broadcast %get3A_65 : vector<1x512xf32> to vector<1024x512xf32>
    %add3A_70 = arith.addf %add3A_68, %add3A_69 : vector<1024x512xf32>
    %sub3A_71 = arith.subf %add3A_70, %dot_general3A_67 : vector<1024x512xf32>
    %reduce_min3A_72 = arith.constant dense<0x7F800000> : vector<1024xf32>
    %reduce_min3A_73 = vector.multi_reduction <minimumf>, %sub3A_71, %reduce_min3A_72 [1] : vector<1024x512xf32> to vector<1024xf32>
    %broadcast_in_dim3A_74 = vector.shape_cast %reduce_min3A_73 : vector<1024xf32> to vector<1024x1xf32>
    %eq3A_75 = vector.broadcast %broadcast_in_dim3A_74 : vector<1024x1xf32> to vector<1024x512xf32>
    %eq3A_76 = arith.cmpf oeq, %sub3A_71, %eq3A_75 : vector<1024x512xf32>
    %jit3A_77 = arith.constant 8.192000e+03 : f32
    %broadcast_in_dim3A_78 = vector.broadcast %jit3A_77 : f32 to vector<1024x512xf32>
    %select_n3A_79 = arith.select %eq3A_76, %convert_element_type3A, %broadcast_in_dim3A_78 : vector<1024x512xi1>, vector<1024x512xf32>
    %reduce_min3A_80 = arith.constant dense<0x7F800000> : vector<1024xf32>
    %reduce_min3A_81 = vector.multi_reduction <minimumf>, %select_n3A_79, %reduce_min3A_80 [1] : vector<1024x512xf32> to vector<1024xf32>
    %broadcast_in_dim3A_82 = vector.shape_cast %reduce_min3A_81 : vector<1024xf32> to vector<1024x1xf32>
    %add3A_83 = arith.constant 1.024000e+03 : f32
    %add3A_84 = vector.broadcast %add3A_83 : f32 to vector<1024x1xf32>
    %add3A_85 = arith.addf %broadcast_in_dim3A_82, %add3A_84 : vector<1024x1xf32>
    %lt3A_86 = arith.cmpf olt, %broadcast_in_dim3A_74, %select_n3A_58 : vector<1024x1xf32>
    %select_n3A_87 = arith.select %lt3A_86, %broadcast_in_dim3A_74, %select_n3A_58 : vector<1024x1xi1>, vector<1024x1xf32>
    %select_n3A_88 = arith.select %lt3A_86, %add3A_85, %select_n3A_59 : vector<1024x1xi1>, vector<1024x1xf32>
    %get3A_89 = arith.constant 1536 : index
    %get3A_90 = arith.constant 0 : index
    %get3A_91 = vector.load %arg2[%get3A_89, %get3A_90] : memref<8192x256xf32, #tpu.memory_space<vmem>>, vector<512x256xf32>
    %get3A_92 = arith.constant 0 : index
    %get3A_93 = arith.constant 1536 : index
    %get3A_94 = vector.load %arg4[%get3A_92, %get3A_93] : memref<1x8192xf32, #tpu.memory_space<vmem>>, vector<1x512xf32>
    %dot_general3A_95 = arith.constant dense<0.000000e+00> : vector<1024x512xf32>
    %dot_general3A_96 = tpu.matmul %mul3A_3, %get3A_91, %dot_general3A_95 {dimension_numbers = #tpu.dot_dimension_numbers<[1], [1], [0], [0], [0, 0, 1, 0], [], []>, transpose_lhs_hint = false} : vector<1024x256xf32>, vector<512x256xf32>, vector<1024x512xf32> -> vector<1024x512xf32>
    %add3A_97 = vector.broadcast %get3A_6 : vector<1024x1xf32> to vector<1024x512xf32>
    %add3A_98 = vector.broadcast %get3A_94 : vector<1x512xf32> to vector<1024x512xf32>
    %add3A_99 = arith.addf %add3A_97, %add3A_98 : vector<1024x512xf32>
    %sub3A_100 = arith.subf %add3A_99, %dot_general3A_96 : vector<1024x512xf32>
    %reduce_min3A_101 = arith.constant dense<0x7F800000> : vector<1024xf32>
    %reduce_min3A_102 = vector.multi_reduction <minimumf>, %sub3A_100, %reduce_min3A_101 [1] : vector<1024x512xf32> to vector<1024xf32>
    %broadcast_in_dim3A_103 = vector.shape_cast %reduce_min3A_102 : vector<1024xf32> to vector<1024x1xf32>
    %eq3A_104 = vector.broadcast %broadcast_in_dim3A_103 : vector<1024x1xf32> to vector<1024x512xf32>
    %eq3A_105 = arith.cmpf oeq, %sub3A_100, %eq3A_104 : vector<1024x512xf32>
    %jit3A_106 = arith.constant 8.192000e+03 : f32
    %broadcast_in_dim3A_107 = vector.broadcast %jit3A_106 : f32 to vector<1024x512xf32>
    %select_n3A_108 = arith.select %eq3A_105, %convert_element_type3A, %broadcast_in_dim3A_107 : vector<1024x512xi1>, vector<1024x512xf32>
    %reduce_min3A_109 = arith.constant dense<0x7F800000> : vector<1024xf32>
    %reduce_min3A_110 = vector.multi_reduction <minimumf>, %select_n3A_108, %reduce_min3A_109 [1] : vector<1024x512xf32> to vector<1024xf32>
    %broadcast_in_dim3A_111 = vector.shape_cast %reduce_min3A_110 : vector<1024xf32> to vector<1024x1xf32>
    %add3A_112 = arith.constant 1.536000e+03 : f32
    %add3A_113 = vector.broadcast %add3A_112 : f32 to vector<1024x1xf32>
    %add3A_114 = arith.addf %broadcast_in_dim3A_111, %add3A_113 : vector<1024x1xf32>
    %lt3A_115 = arith.cmpf olt, %broadcast_in_dim3A_103, %select_n3A_87 : vector<1024x1xf32>
    %select_n3A_116 = arith.select %lt3A_115, %broadcast_in_dim3A_103, %select_n3A_87 : vector<1024x1xi1>, vector<1024x1xf32>
    %select_n3A_117 = arith.select %lt3A_115, %add3A_114, %select_n3A_88 : vector<1024x1xi1>, vector<1024x1xf32>
    %get3A_118 = arith.constant 2048 : index
    %get3A_119 = arith.constant 0 : index
    %get3A_120 = vector.load %arg2[%get3A_118, %get3A_119] : memref<8192x256xf32, #tpu.memory_space<vmem>>, vector<512x256xf32>
    %get3A_121 = arith.constant 0 : index
    %get3A_122 = arith.constant 2048 : index
    %get3A_123 = vector.load %arg4[%get3A_121, %get3A_122] : memref<1x8192xf32, #tpu.memory_space<vmem>>, vector<1x512xf32>
    %dot_general3A_124 = arith.constant dense<0.000000e+00> : vector<1024x512xf32>
    %dot_general3A_125 = tpu.matmul %mul3A_3, %get3A_120, %dot_general3A_124 {dimension_numbers = #tpu.dot_dimension_numbers<[1], [1], [0], [0], [0, 0, 1, 0], [], []>, transpose_lhs_hint = false} : vector<1024x256xf32>, vector<512x256xf32>, vector<1024x512xf32> -> vector<1024x512xf32>
    %add3A_126 = vector.broadcast %get3A_6 : vector<1024x1xf32> to vector<1024x512xf32>
    %add3A_127 = vector.broadcast %get3A_123 : vector<1x512xf32> to vector<1024x512xf32>
    %add3A_128 = arith.addf %add3A_126, %add3A_127 : vector<1024x512xf32>
    %sub3A_129 = arith.subf %add3A_128, %dot_general3A_125 : vector<1024x512xf32>
    %reduce_min3A_130 = arith.constant dense<0x7F800000> : vector<1024xf32>
    %reduce_min3A_131 = vector.multi_reduction <minimumf>, %sub3A_129, %reduce_min3A_130 [1] : vector<1024x512xf32> to vector<1024xf32>
    %broadcast_in_dim3A_132 = vector.shape_cast %reduce_min3A_131 : vector<1024xf32> to vector<1024x1xf32>
    %eq3A_133 = vector.broadcast %broadcast_in_dim3A_132 : vector<1024x1xf32> to vector<1024x512xf32>
    %eq3A_134 = arith.cmpf oeq, %sub3A_129, %eq3A_133 : vector<1024x512xf32>
    %jit3A_135 = arith.constant 8.192000e+03 : f32
    %broadcast_in_dim3A_136 = vector.broadcast %jit3A_135 : f32 to vector<1024x512xf32>
    %select_n3A_137 = arith.select %eq3A_134, %convert_element_type3A, %broadcast_in_dim3A_136 : vector<1024x512xi1>, vector<1024x512xf32>
    %reduce_min3A_138 = arith.constant dense<0x7F800000> : vector<1024xf32>
    %reduce_min3A_139 = vector.multi_reduction <minimumf>, %select_n3A_137, %reduce_min3A_138 [1] : vector<1024x512xf32> to vector<1024xf32>
    %broadcast_in_dim3A_140 = vector.shape_cast %reduce_min3A_139 : vector<1024xf32> to vector<1024x1xf32>
    %add3A_141 = arith.constant 2.048000e+03 : f32
    %add3A_142 = vector.broadcast %add3A_141 : f32 to vector<1024x1xf32>
    %add3A_143 = arith.addf %broadcast_in_dim3A_140, %add3A_142 : vector<1024x1xf32>
    %lt3A_144 = arith.cmpf olt, %broadcast_in_dim3A_132, %select_n3A_116 : vector<1024x1xf32>
    %select_n3A_145 = arith.select %lt3A_144, %broadcast_in_dim3A_132, %select_n3A_116 : vector<1024x1xi1>, vector<1024x1xf32>
    %select_n3A_146 = arith.select %lt3A_144, %add3A_143, %select_n3A_117 : vector<1024x1xi1>, vector<1024x1xf32>
    %get3A_147 = arith.constant 2560 : index
    %get3A_148 = arith.constant 0 : index
    %get3A_149 = vector.load %arg2[%get3A_147, %get3A_148] : memref<8192x256xf32, #tpu.memory_space<vmem>>, vector<256x256xf32>
    %get3A_150 = arith.constant 0 : index
    %get3A_151 = arith.constant 2560 : index
    %get3A_152 = vector.load %arg4[%get3A_150, %get3A_151] : memref<1x8192xf32, #tpu.memory_space<vmem>>, vector<1x256xf32>
    %dot_general3A_153 = arith.constant dense<0.000000e+00> : vector<1024x256xf32>
    %dot_general3A_154 = tpu.matmul %mul3A_3, %get3A_149, %dot_general3A_153 {dimension_numbers = #tpu.dot_dimension_numbers<[1], [1], [0], [0], [0, 0, 1, 0], [], []>, transpose_lhs_hint = false} : vector<1024x256xf32>, vector<256x256xf32>, vector<1024x256xf32> -> vector<1024x256xf32>
    %add3A_155 = vector.broadcast %get3A_6 : vector<1024x1xf32> to vector<1024x256xf32>
    %add3A_156 = vector.broadcast %get3A_152 : vector<1x256xf32> to vector<1024x256xf32>
    %add3A_157 = arith.addf %add3A_155, %add3A_156 : vector<1024x256xf32>
    %sub3A_158 = arith.subf %add3A_157, %dot_general3A_154 : vector<1024x256xf32>
    %reduce_min3A_159 = arith.constant dense<0x7F800000> : vector<1024xf32>
    %reduce_min3A_160 = vector.multi_reduction <minimumf>, %sub3A_158, %reduce_min3A_159 [1] : vector<1024x256xf32> to vector<1024xf32>
    %broadcast_in_dim3A_161 = vector.shape_cast %reduce_min3A_160 : vector<1024xf32> to vector<1024x1xf32>
    %eq3A_162 = vector.broadcast %broadcast_in_dim3A_161 : vector<1024x1xf32> to vector<1024x256xf32>
    %eq3A_163 = arith.cmpf oeq, %sub3A_158, %eq3A_162 : vector<1024x256xf32>
    %slice3A = vector.extract_strided_slice %convert_element_type3A {offsets = [0, 0], sizes = [1024, 256], strides = [1, 1]} : vector<1024x512xf32> to vector<1024x256xf32>
    %jit3A_164 = arith.constant 8.192000e+03 : f32
    %broadcast_in_dim3A_165 = vector.broadcast %jit3A_164 : f32 to vector<1024x256xf32>
    %select_n3A_166 = arith.select %eq3A_163, %slice3A, %broadcast_in_dim3A_165 : vector<1024x256xi1>, vector<1024x256xf32>
    %reduce_min3A_167 = arith.constant dense<0x7F800000> : vector<1024xf32>
    %reduce_min3A_168 = vector.multi_reduction <minimumf>, %select_n3A_166, %reduce_min3A_167 [1] : vector<1024x256xf32> to vector<1024xf32>
    %broadcast_in_dim3A_169 = vector.shape_cast %reduce_min3A_168 : vector<1024xf32> to vector<1024x1xf32>
    %add3A_170 = arith.constant 2.560000e+03 : f32
    %add3A_171 = vector.broadcast %add3A_170 : f32 to vector<1024x1xf32>
    %add3A_172 = arith.addf %broadcast_in_dim3A_169, %add3A_171 : vector<1024x1xf32>
    %lt3A_173 = arith.cmpf olt, %broadcast_in_dim3A_161, %select_n3A_145 : vector<1024x1xf32>
    %select_n3A_174 = arith.select %lt3A_173, %broadcast_in_dim3A_161, %select_n3A_145 : vector<1024x1xi1>, vector<1024x1xf32>
    %select_n3A_175 = arith.select %lt3A_173, %add3A_172, %select_n3A_146 : vector<1024x1xi1>, vector<1024x1xf32>
    %convert_element_type3A_176 = arith.truncf %select_n3A_174 : vector<1024x1xf32> to vector<1024x1xbf16>
    %convert_element_type3A_177 = arith.extf %convert_element_type3A_176 : vector<1024x1xbf16> to vector<1024x1xf32>
    %get3A_178 = arith.constant 2816 : index
    %get3A_179 = arith.constant 0 : index
    %get3A_180 = vector.load %arg2[%get3A_178, %get3A_179] : memref<8192x256xf32, #tpu.memory_space<vmem>>, vector<256x256xf32>
    %get3A_181 = arith.constant 0 : index
    %get3A_182 = arith.constant 2816 : index
    %get3A_183 = vector.load %arg4[%get3A_181, %get3A_182] : memref<1x8192xf32, #tpu.memory_space<vmem>>, vector<1x256xf32>
    %dot_general3A_184 = arith.constant dense<0.000000e+00> : vector<1024x256xf32>
    %dot_general3A_185 = tpu.matmul %mul3A_3, %get3A_180, %dot_general3A_184 {dimension_numbers = #tpu.dot_dimension_numbers<[1], [1], [0], [0], [0, 0, 1, 0], [], []>, transpose_lhs_hint = false} : vector<1024x256xf32>, vector<256x256xf32>, vector<1024x256xf32> -> vector<1024x256xf32>
    %add3A_186 = vector.broadcast %get3A_6 : vector<1024x1xf32> to vector<1024x256xf32>
    %add3A_187 = vector.broadcast %get3A_183 : vector<1x256xf32> to vector<1024x256xf32>
    %add3A_188 = arith.addf %add3A_186, %add3A_187 : vector<1024x256xf32>
    %sub3A_189 = arith.subf %add3A_188, %dot_general3A_185 : vector<1024x256xf32>
    %reduce_min3A_190 = arith.constant dense<0x7F800000> : vector<1024xf32>
    %reduce_min3A_191 = vector.multi_reduction <minimumf>, %sub3A_189, %reduce_min3A_190 [1] : vector<1024x256xf32> to vector<1024xf32>
    %broadcast_in_dim3A_192 = vector.shape_cast %reduce_min3A_191 : vector<1024xf32> to vector<1024x1xf32>
    %eq3A_193 = vector.broadcast %broadcast_in_dim3A_192 : vector<1024x1xf32> to vector<1024x256xf32>
    %eq3A_194 = arith.cmpf oeq, %sub3A_189, %eq3A_193 : vector<1024x256xf32>
    %slice3A_195 = vector.extract_strided_slice %convert_element_type3A {offsets = [0, 0], sizes = [1024, 256], strides = [1, 1]} : vector<1024x512xf32> to vector<1024x256xf32>
    %jit3A_196 = arith.constant 8.192000e+03 : f32
    %broadcast_in_dim3A_197 = vector.broadcast %jit3A_196 : f32 to vector<1024x256xf32>
    %select_n3A_198 = arith.select %eq3A_194, %slice3A_195, %broadcast_in_dim3A_197 : vector<1024x256xi1>, vector<1024x256xf32>
    %reduce_min3A_199 = arith.constant dense<0x7F800000> : vector<1024xf32>
    %reduce_min3A_200 = vector.multi_reduction <minimumf>, %select_n3A_198, %reduce_min3A_199 [1] : vector<1024x256xf32> to vector<1024xf32>
    %broadcast_in_dim3A_201 = vector.shape_cast %reduce_min3A_200 : vector<1024xf32> to vector<1024x1xf32>
    %add3A_202 = arith.constant 2.816000e+03 : f32
    %add3A_203 = vector.broadcast %add3A_202 : f32 to vector<1024x1xf32>
    %add3A_204 = arith.addf %broadcast_in_dim3A_201, %add3A_203 : vector<1024x1xf32>
    %lt3A_205 = arith.cmpf olt, %broadcast_in_dim3A_192, %convert_element_type3A_177 : vector<1024x1xf32>
    %select_n3A_206 = arith.select %lt3A_205, %broadcast_in_dim3A_192, %convert_element_type3A_177 : vector<1024x1xi1>, vector<1024x1xf32>
    %select_n3A_207 = arith.select %lt3A_205, %add3A_204, %select_n3A_175 : vector<1024x1xi1>, vector<1024x1xf32>
    %get3A_208 = arith.constant 3072 : index
    %get3A_209 = arith.constant 0 : index
    %get3A_210 = vector.load %arg2[%get3A_208, %get3A_209] : memref<8192x256xf32, #tpu.memory_space<vmem>>, vector<512x256xf32>
    %get3A_211 = arith.constant 0 : index
    %get3A_212 = arith.constant 3072 : index
    %get3A_213 = vector.load %arg4[%get3A_211, %get3A_212] : memref<1x8192xf32, #tpu.memory_space<vmem>>, vector<1x512xf32>
    %dot_general3A_214 = arith.constant dense<0.000000e+00> : vector<1024x512xf32>
    %dot_general3A_215 = tpu.matmul %mul3A_3, %get3A_210, %dot_general3A_214 {dimension_numbers = #tpu.dot_dimension_numbers<[1], [1], [0], [0], [0, 0, 1, 0], [], []>, transpose_lhs_hint = false} : vector<1024x256xf32>, vector<512x256xf32>, vector<1024x512xf32> -> vector<1024x512xf32>
    %add3A_216 = vector.broadcast %get3A_6 : vector<1024x1xf32> to vector<1024x512xf32>
    %add3A_217 = vector.broadcast %get3A_213 : vector<1x512xf32> to vector<1024x512xf32>
    %add3A_218 = arith.addf %add3A_216, %add3A_217 : vector<1024x512xf32>
    %sub3A_219 = arith.subf %add3A_218, %dot_general3A_215 : vector<1024x512xf32>
    %reduce_min3A_220 = arith.constant dense<0x7F800000> : vector<1024xf32>
    %reduce_min3A_221 = vector.multi_reduction <minimumf>, %sub3A_219, %reduce_min3A_220 [1] : vector<1024x512xf32> to vector<1024xf32>
    %broadcast_in_dim3A_222 = vector.shape_cast %reduce_min3A_221 : vector<1024xf32> to vector<1024x1xf32>
    %eq3A_223 = vector.broadcast %broadcast_in_dim3A_222 : vector<1024x1xf32> to vector<1024x512xf32>
    %eq3A_224 = arith.cmpf oeq, %sub3A_219, %eq3A_223 : vector<1024x512xf32>
    %jit3A_225 = arith.constant 8.192000e+03 : f32
    %broadcast_in_dim3A_226 = vector.broadcast %jit3A_225 : f32 to vector<1024x512xf32>
    %select_n3A_227 = arith.select %eq3A_224, %convert_element_type3A, %broadcast_in_dim3A_226 : vector<1024x512xi1>, vector<1024x512xf32>
    %reduce_min3A_228 = arith.constant dense<0x7F800000> : vector<1024xf32>
    %reduce_min3A_229 = vector.multi_reduction <minimumf>, %select_n3A_227, %reduce_min3A_228 [1] : vector<1024x512xf32> to vector<1024xf32>
    %broadcast_in_dim3A_230 = vector.shape_cast %reduce_min3A_229 : vector<1024xf32> to vector<1024x1xf32>
    %add3A_231 = arith.constant 3.072000e+03 : f32
    %add3A_232 = vector.broadcast %add3A_231 : f32 to vector<1024x1xf32>
    %add3A_233 = arith.addf %broadcast_in_dim3A_230, %add3A_232 : vector<1024x1xf32>
    %lt3A_234 = arith.cmpf olt, %broadcast_in_dim3A_222, %select_n3A_206 : vector<1024x1xf32>
    %select_n3A_235 = arith.select %lt3A_234, %broadcast_in_dim3A_222, %select_n3A_206 : vector<1024x1xi1>, vector<1024x1xf32>
    %select_n3A_236 = arith.select %lt3A_234, %add3A_233, %select_n3A_207 : vector<1024x1xi1>, vector<1024x1xf32>
    %get3A_237 = arith.constant 3584 : index
    %get3A_238 = arith.constant 0 : index
    %get3A_239 = vector.load %arg2[%get3A_237, %get3A_238] : memref<8192x256xf32, #tpu.memory_space<vmem>>, vector<512x256xf32>
    %get3A_240 = arith.constant 0 : index
    %get3A_241 = arith.constant 3584 : index
    %get3A_242 = vector.load %arg4[%get3A_240, %get3A_241] : memref<1x8192xf32, #tpu.memory_space<vmem>>, vector<1x512xf32>
    %dot_general3A_243 = arith.constant dense<0.000000e+00> : vector<1024x512xf32>
    %dot_general3A_244 = tpu.matmul %mul3A_3, %get3A_239, %dot_general3A_243 {dimension_numbers = #tpu.dot_dimension_numbers<[1], [1], [0], [0], [0, 0, 1, 0], [], []>, transpose_lhs_hint = false} : vector<1024x256xf32>, vector<512x256xf32>, vector<1024x512xf32> -> vector<1024x512xf32>
    %add3A_245 = vector.broadcast %get3A_6 : vector<1024x1xf32> to vector<1024x512xf32>
    %add3A_246 = vector.broadcast %get3A_242 : vector<1x512xf32> to vector<1024x512xf32>
    %add3A_247 = arith.addf %add3A_245, %add3A_246 : vector<1024x512xf32>
    %sub3A_248 = arith.subf %add3A_247, %dot_general3A_244 : vector<1024x512xf32>
    %reduce_min3A_249 = arith.constant dense<0x7F800000> : vector<1024xf32>
    %reduce_min3A_250 = vector.multi_reduction <minimumf>, %sub3A_248, %reduce_min3A_249 [1] : vector<1024x512xf32> to vector<1024xf32>
    %broadcast_in_dim3A_251 = vector.shape_cast %reduce_min3A_250 : vector<1024xf32> to vector<1024x1xf32>
    %eq3A_252 = vector.broadcast %broadcast_in_dim3A_251 : vector<1024x1xf32> to vector<1024x512xf32>
    %eq3A_253 = arith.cmpf oeq, %sub3A_248, %eq3A_252 : vector<1024x512xf32>
    %jit3A_254 = arith.constant 8.192000e+03 : f32
    %broadcast_in_dim3A_255 = vector.broadcast %jit3A_254 : f32 to vector<1024x512xf32>
    %select_n3A_256 = arith.select %eq3A_253, %convert_element_type3A, %broadcast_in_dim3A_255 : vector<1024x512xi1>, vector<1024x512xf32>
    %reduce_min3A_257 = arith.constant dense<0x7F800000> : vector<1024xf32>
    %reduce_min3A_258 = vector.multi_reduction <minimumf>, %select_n3A_256, %reduce_min3A_257 [1] : vector<1024x512xf32> to vector<1024xf32>
    %broadcast_in_dim3A_259 = vector.shape_cast %reduce_min3A_258 : vector<1024xf32> to vector<1024x1xf32>
    %add3A_260 = arith.constant 3.584000e+03 : f32
    %add3A_261 = vector.broadcast %add3A_260 : f32 to vector<1024x1xf32>
    %add3A_262 = arith.addf %broadcast_in_dim3A_259, %add3A_261 : vector<1024x1xf32>
    %lt3A_263 = arith.cmpf olt, %broadcast_in_dim3A_251, %select_n3A_235 : vector<1024x1xf32>
    %select_n3A_264 = arith.select %lt3A_263, %broadcast_in_dim3A_251, %select_n3A_235 : vector<1024x1xi1>, vector<1024x1xf32>
    %select_n3A_265 = arith.select %lt3A_263, %add3A_262, %select_n3A_236 : vector<1024x1xi1>, vector<1024x1xf32>
    %get3A_266 = arith.constant 4096 : index
    %get3A_267 = arith.constant 0 : index
    %get3A_268 = vector.load %arg2[%get3A_266, %get3A_267] : memref<8192x256xf32, #tpu.memory_space<vmem>>, vector<512x256xf32>
    %get3A_269 = arith.constant 0 : index
    %get3A_270 = arith.constant 4096 : index
    %get3A_271 = vector.load %arg4[%get3A_269, %get3A_270] : memref<1x8192xf32, #tpu.memory_space<vmem>>, vector<1x512xf32>
    %dot_general3A_272 = arith.constant dense<0.000000e+00> : vector<1024x512xf32>
    %dot_general3A_273 = tpu.matmul %mul3A_3, %get3A_268, %dot_general3A_272 {dimension_numbers = #tpu.dot_dimension_numbers<[1], [1], [0], [0], [0, 0, 1, 0], [], []>, transpose_lhs_hint = false} : vector<1024x256xf32>, vector<512x256xf32>, vector<1024x512xf32> -> vector<1024x512xf32>
    %add3A_274 = vector.broadcast %get3A_6 : vector<1024x1xf32> to vector<1024x512xf32>
    %add3A_275 = vector.broadcast %get3A_271 : vector<1x512xf32> to vector<1024x512xf32>
    %add3A_276 = arith.addf %add3A_274, %add3A_275 : vector<1024x512xf32>
    %sub3A_277 = arith.subf %add3A_276, %dot_general3A_273 : vector<1024x512xf32>
    %reduce_min3A_278 = arith.constant dense<0x7F800000> : vector<1024xf32>
    %reduce_min3A_279 = vector.multi_reduction <minimumf>, %sub3A_277, %reduce_min3A_278 [1] : vector<1024x512xf32> to vector<1024xf32>
    %broadcast_in_dim3A_280 = vector.shape_cast %reduce_min3A_279 : vector<1024xf32> to vector<1024x1xf32>
    %eq3A_281 = vector.broadcast %broadcast_in_dim3A_280 : vector<1024x1xf32> to vector<1024x512xf32>
    %eq3A_282 = arith.cmpf oeq, %sub3A_277, %eq3A_281 : vector<1024x512xf32>
    %jit3A_283 = arith.constant 8.192000e+03 : f32
    %broadcast_in_dim3A_284 = vector.broadcast %jit3A_283 : f32 to vector<1024x512xf32>
    %select_n3A_285 = arith.select %eq3A_282, %convert_element_type3A, %broadcast_in_dim3A_284 : vector<1024x512xi1>, vector<1024x512xf32>
    %reduce_min3A_286 = arith.constant dense<0x7F800000> : vector<1024xf32>
    %reduce_min3A_287 = vector.multi_reduction <minimumf>, %select_n3A_285, %reduce_min3A_286 [1] : vector<1024x512xf32> to vector<1024xf32>
    %broadcast_in_dim3A_288 = vector.shape_cast %reduce_min3A_287 : vector<1024xf32> to vector<1024x1xf32>
    %add3A_289 = arith.constant 4.096000e+03 : f32
    %add3A_290 = vector.broadcast %add3A_289 : f32 to vector<1024x1xf32>
    %add3A_291 = arith.addf %broadcast_in_dim3A_288, %add3A_290 : vector<1024x1xf32>
    %lt3A_292 = arith.cmpf olt, %broadcast_in_dim3A_280, %select_n3A_264 : vector<1024x1xf32>
    %select_n3A_293 = arith.select %lt3A_292, %broadcast_in_dim3A_280, %select_n3A_264 : vector<1024x1xi1>, vector<1024x1xf32>
    %select_n3A_294 = arith.select %lt3A_292, %add3A_291, %select_n3A_265 : vector<1024x1xi1>, vector<1024x1xf32>
    %get3A_295 = arith.constant 4608 : index
    %get3A_296 = arith.constant 0 : index
    %get3A_297 = vector.load %arg2[%get3A_295, %get3A_296] : memref<8192x256xf32, #tpu.memory_space<vmem>>, vector<512x256xf32>
    %get3A_298 = arith.constant 0 : index
    %get3A_299 = arith.constant 4608 : index
    %get3A_300 = vector.load %arg4[%get3A_298, %get3A_299] : memref<1x8192xf32, #tpu.memory_space<vmem>>, vector<1x512xf32>
    %dot_general3A_301 = arith.constant dense<0.000000e+00> : vector<1024x512xf32>
    %dot_general3A_302 = tpu.matmul %mul3A_3, %get3A_297, %dot_general3A_301 {dimension_numbers = #tpu.dot_dimension_numbers<[1], [1], [0], [0], [0, 0, 1, 0], [], []>, transpose_lhs_hint = false} : vector<1024x256xf32>, vector<512x256xf32>, vector<1024x512xf32> -> vector<1024x512xf32>
    %add3A_303 = vector.broadcast %get3A_6 : vector<1024x1xf32> to vector<1024x512xf32>
    %add3A_304 = vector.broadcast %get3A_300 : vector<1x512xf32> to vector<1024x512xf32>
    %add3A_305 = arith.addf %add3A_303, %add3A_304 : vector<1024x512xf32>
    %sub3A_306 = arith.subf %add3A_305, %dot_general3A_302 : vector<1024x512xf32>
    %reduce_min3A_307 = arith.constant dense<0x7F800000> : vector<1024xf32>
    %reduce_min3A_308 = vector.multi_reduction <minimumf>, %sub3A_306, %reduce_min3A_307 [1] : vector<1024x512xf32> to vector<1024xf32>
    %broadcast_in_dim3A_309 = vector.shape_cast %reduce_min3A_308 : vector<1024xf32> to vector<1024x1xf32>
    %eq3A_310 = vector.broadcast %broadcast_in_dim3A_309 : vector<1024x1xf32> to vector<1024x512xf32>
    %eq3A_311 = arith.cmpf oeq, %sub3A_306, %eq3A_310 : vector<1024x512xf32>
    %jit3A_312 = arith.constant 8.192000e+03 : f32
    %broadcast_in_dim3A_313 = vector.broadcast %jit3A_312 : f32 to vector<1024x512xf32>
    %select_n3A_314 = arith.select %eq3A_311, %convert_element_type3A, %broadcast_in_dim3A_313 : vector<1024x512xi1>, vector<1024x512xf32>
    %reduce_min3A_315 = arith.constant dense<0x7F800000> : vector<1024xf32>
    %reduce_min3A_316 = vector.multi_reduction <minimumf>, %select_n3A_314, %reduce_min3A_315 [1] : vector<1024x512xf32> to vector<1024xf32>
    %broadcast_in_dim3A_317 = vector.shape_cast %reduce_min3A_316 : vector<1024xf32> to vector<1024x1xf32>
    %add3A_318 = arith.constant 4.608000e+03 : f32
    %add3A_319 = vector.broadcast %add3A_318 : f32 to vector<1024x1xf32>
    %add3A_320 = arith.addf %broadcast_in_dim3A_317, %add3A_319 : vector<1024x1xf32>
    %lt3A_321 = arith.cmpf olt, %broadcast_in_dim3A_309, %select_n3A_293 : vector<1024x1xf32>
    %select_n3A_322 = arith.select %lt3A_321, %broadcast_in_dim3A_309, %select_n3A_293 : vector<1024x1xi1>, vector<1024x1xf32>
    %select_n3A_323 = arith.select %lt3A_321, %add3A_320, %select_n3A_294 : vector<1024x1xi1>, vector<1024x1xf32>
    %get3A_324 = arith.constant 5120 : index
    %get3A_325 = arith.constant 0 : index
    %get3A_326 = vector.load %arg2[%get3A_324, %get3A_325] : memref<8192x256xf32, #tpu.memory_space<vmem>>, vector<512x256xf32>
    %get3A_327 = arith.constant 0 : index
    %get3A_328 = arith.constant 5120 : index
    %get3A_329 = vector.load %arg4[%get3A_327, %get3A_328] : memref<1x8192xf32, #tpu.memory_space<vmem>>, vector<1x512xf32>
    %dot_general3A_330 = arith.constant dense<0.000000e+00> : vector<1024x512xf32>
    %dot_general3A_331 = tpu.matmul %mul3A_3, %get3A_326, %dot_general3A_330 {dimension_numbers = #tpu.dot_dimension_numbers<[1], [1], [0], [0], [0, 0, 1, 0], [], []>, transpose_lhs_hint = false} : vector<1024x256xf32>, vector<512x256xf32>, vector<1024x512xf32> -> vector<1024x512xf32>
    %add3A_332 = vector.broadcast %get3A_6 : vector<1024x1xf32> to vector<1024x512xf32>
    %add3A_333 = vector.broadcast %get3A_329 : vector<1x512xf32> to vector<1024x512xf32>
    %add3A_334 = arith.addf %add3A_332, %add3A_333 : vector<1024x512xf32>
    %sub3A_335 = arith.subf %add3A_334, %dot_general3A_331 : vector<1024x512xf32>
    %reduce_min3A_336 = arith.constant dense<0x7F800000> : vector<1024xf32>
    %reduce_min3A_337 = vector.multi_reduction <minimumf>, %sub3A_335, %reduce_min3A_336 [1] : vector<1024x512xf32> to vector<1024xf32>
    %broadcast_in_dim3A_338 = vector.shape_cast %reduce_min3A_337 : vector<1024xf32> to vector<1024x1xf32>
    %eq3A_339 = vector.broadcast %broadcast_in_dim3A_338 : vector<1024x1xf32> to vector<1024x512xf32>
    %eq3A_340 = arith.cmpf oeq, %sub3A_335, %eq3A_339 : vector<1024x512xf32>
    %jit3A_341 = arith.constant 8.192000e+03 : f32
    %broadcast_in_dim3A_342 = vector.broadcast %jit3A_341 : f32 to vector<1024x512xf32>
    %select_n3A_343 = arith.select %eq3A_340, %convert_element_type3A, %broadcast_in_dim3A_342 : vector<1024x512xi1>, vector<1024x512xf32>
    %reduce_min3A_344 = arith.constant dense<0x7F800000> : vector<1024xf32>
    %reduce_min3A_345 = vector.multi_reduction <minimumf>, %select_n3A_343, %reduce_min3A_344 [1] : vector<1024x512xf32> to vector<1024xf32>
    %broadcast_in_dim3A_346 = vector.shape_cast %reduce_min3A_345 : vector<1024xf32> to vector<1024x1xf32>
    %add3A_347 = arith.constant 5.120000e+03 : f32
    %add3A_348 = vector.broadcast %add3A_347 : f32 to vector<1024x1xf32>
    %add3A_349 = arith.addf %broadcast_in_dim3A_346, %add3A_348 : vector<1024x1xf32>
    %lt3A_350 = arith.cmpf olt, %broadcast_in_dim3A_338, %select_n3A_322 : vector<1024x1xf32>
    %select_n3A_351 = arith.select %lt3A_350, %broadcast_in_dim3A_338, %select_n3A_322 : vector<1024x1xi1>, vector<1024x1xf32>
    %select_n3A_352 = arith.select %lt3A_350, %add3A_349, %select_n3A_323 : vector<1024x1xi1>, vector<1024x1xf32>
    %convert_element_type3A_353 = arith.truncf %select_n3A_351 : vector<1024x1xf32> to vector<1024x1xbf16>
    %convert_element_type3A_354 = arith.extf %convert_element_type3A_353 : vector<1024x1xbf16> to vector<1024x1xf32>
    %get3A_355 = arith.constant 5632 : index
    %get3A_356 = arith.constant 0 : index
    %get3A_357 = vector.load %arg2[%get3A_355, %get3A_356] : memref<8192x256xf32, #tpu.memory_space<vmem>>, vector<512x256xf32>
    %get3A_358 = arith.constant 0 : index
    %get3A_359 = arith.constant 5632 : index
    %get3A_360 = vector.load %arg4[%get3A_358, %get3A_359] : memref<1x8192xf32, #tpu.memory_space<vmem>>, vector<1x512xf32>
    %dot_general3A_361 = arith.constant dense<0.000000e+00> : vector<1024x512xf32>
    %dot_general3A_362 = tpu.matmul %mul3A_3, %get3A_357, %dot_general3A_361 {dimension_numbers = #tpu.dot_dimension_numbers<[1], [1], [0], [0], [0, 0, 1, 0], [], []>, transpose_lhs_hint = false} : vector<1024x256xf32>, vector<512x256xf32>, vector<1024x512xf32> -> vector<1024x512xf32>
    %add3A_363 = vector.broadcast %get3A_6 : vector<1024x1xf32> to vector<1024x512xf32>
    %add3A_364 = vector.broadcast %get3A_360 : vector<1x512xf32> to vector<1024x512xf32>
    %add3A_365 = arith.addf %add3A_363, %add3A_364 : vector<1024x512xf32>
    %sub3A_366 = arith.subf %add3A_365, %dot_general3A_362 : vector<1024x512xf32>
    %reduce_min3A_367 = arith.constant dense<0x7F800000> : vector<1024xf32>
    %reduce_min3A_368 = vector.multi_reduction <minimumf>, %sub3A_366, %reduce_min3A_367 [1] : vector<1024x512xf32> to vector<1024xf32>
    %broadcast_in_dim3A_369 = vector.shape_cast %reduce_min3A_368 : vector<1024xf32> to vector<1024x1xf32>
    %eq3A_370 = vector.broadcast %broadcast_in_dim3A_369 : vector<1024x1xf32> to vector<1024x512xf32>
    %eq3A_371 = arith.cmpf oeq, %sub3A_366, %eq3A_370 : vector<1024x512xf32>
    %jit3A_372 = arith.constant 8.192000e+03 : f32
    %broadcast_in_dim3A_373 = vector.broadcast %jit3A_372 : f32 to vector<1024x512xf32>
    %select_n3A_374 = arith.select %eq3A_371, %convert_element_type3A, %broadcast_in_dim3A_373 : vector<1024x512xi1>, vector<1024x512xf32>
    %reduce_min3A_375 = arith.constant dense<0x7F800000> : vector<1024xf32>
    %reduce_min3A_376 = vector.multi_reduction <minimumf>, %select_n3A_374, %reduce_min3A_375 [1] : vector<1024x512xf32> to vector<1024xf32>
    %broadcast_in_dim3A_377 = vector.shape_cast %reduce_min3A_376 : vector<1024xf32> to vector<1024x1xf32>
    %add3A_378 = arith.constant 5.632000e+03 : f32
    %add3A_379 = vector.broadcast %add3A_378 : f32 to vector<1024x1xf32>
    %add3A_380 = arith.addf %broadcast_in_dim3A_377, %add3A_379 : vector<1024x1xf32>
    %lt3A_381 = arith.cmpf olt, %broadcast_in_dim3A_369, %convert_element_type3A_354 : vector<1024x1xf32>
    %select_n3A_382 = arith.select %lt3A_381, %broadcast_in_dim3A_369, %convert_element_type3A_354 : vector<1024x1xi1>, vector<1024x1xf32>
    %select_n3A_383 = arith.select %lt3A_381, %add3A_380, %select_n3A_352 : vector<1024x1xi1>, vector<1024x1xf32>
    %get3A_384 = arith.constant 6144 : index
    %get3A_385 = arith.constant 0 : index
    %get3A_386 = vector.load %arg2[%get3A_384, %get3A_385] : memref<8192x256xf32, #tpu.memory_space<vmem>>, vector<512x256xf32>
    %get3A_387 = arith.constant 0 : index
    %get3A_388 = arith.constant 6144 : index
    %get3A_389 = vector.load %arg4[%get3A_387, %get3A_388] : memref<1x8192xf32, #tpu.memory_space<vmem>>, vector<1x512xf32>
    %dot_general3A_390 = arith.constant dense<0.000000e+00> : vector<1024x512xf32>
    %dot_general3A_391 = tpu.matmul %mul3A_3, %get3A_386, %dot_general3A_390 {dimension_numbers = #tpu.dot_dimension_numbers<[1], [1], [0], [0], [0, 0, 1, 0], [], []>, transpose_lhs_hint = false} : vector<1024x256xf32>, vector<512x256xf32>, vector<1024x512xf32> -> vector<1024x512xf32>
    %add3A_392 = vector.broadcast %get3A_6 : vector<1024x1xf32> to vector<1024x512xf32>
    %add3A_393 = vector.broadcast %get3A_389 : vector<1x512xf32> to vector<1024x512xf32>
    %add3A_394 = arith.addf %add3A_392, %add3A_393 : vector<1024x512xf32>
    %sub3A_395 = arith.subf %add3A_394, %dot_general3A_391 : vector<1024x512xf32>
    %reduce_min3A_396 = arith.constant dense<0x7F800000> : vector<1024xf32>
    %reduce_min3A_397 = vector.multi_reduction <minimumf>, %sub3A_395, %reduce_min3A_396 [1] : vector<1024x512xf32> to vector<1024xf32>
    %broadcast_in_dim3A_398 = vector.shape_cast %reduce_min3A_397 : vector<1024xf32> to vector<1024x1xf32>
    %eq3A_399 = vector.broadcast %broadcast_in_dim3A_398 : vector<1024x1xf32> to vector<1024x512xf32>
    %eq3A_400 = arith.cmpf oeq, %sub3A_395, %eq3A_399 : vector<1024x512xf32>
    %jit3A_401 = arith.constant 8.192000e+03 : f32
    %broadcast_in_dim3A_402 = vector.broadcast %jit3A_401 : f32 to vector<1024x512xf32>
    %select_n3A_403 = arith.select %eq3A_400, %convert_element_type3A, %broadcast_in_dim3A_402 : vector<1024x512xi1>, vector<1024x512xf32>
    %reduce_min3A_404 = arith.constant dense<0x7F800000> : vector<1024xf32>
    %reduce_min3A_405 = vector.multi_reduction <minimumf>, %select_n3A_403, %reduce_min3A_404 [1] : vector<1024x512xf32> to vector<1024xf32>
    %broadcast_in_dim3A_406 = vector.shape_cast %reduce_min3A_405 : vector<1024xf32> to vector<1024x1xf32>
    %add3A_407 = arith.constant 6.144000e+03 : f32
    %add3A_408 = vector.broadcast %add3A_407 : f32 to vector<1024x1xf32>
    %add3A_409 = arith.addf %broadcast_in_dim3A_406, %add3A_408 : vector<1024x1xf32>
    %lt3A_410 = arith.cmpf olt, %broadcast_in_dim3A_398, %select_n3A_382 : vector<1024x1xf32>
    %select_n3A_411 = arith.select %lt3A_410, %broadcast_in_dim3A_398, %select_n3A_382 : vector<1024x1xi1>, vector<1024x1xf32>
    %select_n3A_412 = arith.select %lt3A_410, %add3A_409, %select_n3A_383 : vector<1024x1xi1>, vector<1024x1xf32>
    %get3A_413 = arith.constant 6656 : index
    %get3A_414 = arith.constant 0 : index
    %get3A_415 = vector.load %arg2[%get3A_413, %get3A_414] : memref<8192x256xf32, #tpu.memory_space<vmem>>, vector<512x256xf32>
    %get3A_416 = arith.constant 0 : index
    %get3A_417 = arith.constant 6656 : index
    %get3A_418 = vector.load %arg4[%get3A_416, %get3A_417] : memref<1x8192xf32, #tpu.memory_space<vmem>>, vector<1x512xf32>
    %dot_general3A_419 = arith.constant dense<0.000000e+00> : vector<1024x512xf32>
    %dot_general3A_420 = tpu.matmul %mul3A_3, %get3A_415, %dot_general3A_419 {dimension_numbers = #tpu.dot_dimension_numbers<[1], [1], [0], [0], [0, 0, 1, 0], [], []>, transpose_lhs_hint = false} : vector<1024x256xf32>, vector<512x256xf32>, vector<1024x512xf32> -> vector<1024x512xf32>
    %add3A_421 = vector.broadcast %get3A_6 : vector<1024x1xf32> to vector<1024x512xf32>
    %add3A_422 = vector.broadcast %get3A_418 : vector<1x512xf32> to vector<1024x512xf32>
    %add3A_423 = arith.addf %add3A_421, %add3A_422 : vector<1024x512xf32>
    %sub3A_424 = arith.subf %add3A_423, %dot_general3A_420 : vector<1024x512xf32>
    %reduce_min3A_425 = arith.constant dense<0x7F800000> : vector<1024xf32>
    %reduce_min3A_426 = vector.multi_reduction <minimumf>, %sub3A_424, %reduce_min3A_425 [1] : vector<1024x512xf32> to vector<1024xf32>
    %broadcast_in_dim3A_427 = vector.shape_cast %reduce_min3A_426 : vector<1024xf32> to vector<1024x1xf32>
    %eq3A_428 = vector.broadcast %broadcast_in_dim3A_427 : vector<1024x1xf32> to vector<1024x512xf32>
    %eq3A_429 = arith.cmpf oeq, %sub3A_424, %eq3A_428 : vector<1024x512xf32>
    %jit3A_430 = arith.constant 8.192000e+03 : f32
    %broadcast_in_dim3A_431 = vector.broadcast %jit3A_430 : f32 to vector<1024x512xf32>
    %select_n3A_432 = arith.select %eq3A_429, %convert_element_type3A, %broadcast_in_dim3A_431 : vector<1024x512xi1>, vector<1024x512xf32>
    %reduce_min3A_433 = arith.constant dense<0x7F800000> : vector<1024xf32>
    %reduce_min3A_434 = vector.multi_reduction <minimumf>, %select_n3A_432, %reduce_min3A_433 [1] : vector<1024x512xf32> to vector<1024xf32>
    %broadcast_in_dim3A_435 = vector.shape_cast %reduce_min3A_434 : vector<1024xf32> to vector<1024x1xf32>
    %add3A_436 = arith.constant 6.656000e+03 : f32
    %add3A_437 = vector.broadcast %add3A_436 : f32 to vector<1024x1xf32>
    %add3A_438 = arith.addf %broadcast_in_dim3A_435, %add3A_437 : vector<1024x1xf32>
    %lt3A_439 = arith.cmpf olt, %broadcast_in_dim3A_427, %select_n3A_411 : vector<1024x1xf32>
    %select_n3A_440 = arith.select %lt3A_439, %broadcast_in_dim3A_427, %select_n3A_411 : vector<1024x1xi1>, vector<1024x1xf32>
    %select_n3A_441 = arith.select %lt3A_439, %add3A_438, %select_n3A_412 : vector<1024x1xi1>, vector<1024x1xf32>
    %get3A_442 = arith.constant 7168 : index
    %get3A_443 = arith.constant 0 : index
    %get3A_444 = vector.load %arg2[%get3A_442, %get3A_443] : memref<8192x256xf32, #tpu.memory_space<vmem>>, vector<512x256xf32>
    %get3A_445 = arith.constant 0 : index
    %get3A_446 = arith.constant 7168 : index
    %get3A_447 = vector.load %arg4[%get3A_445, %get3A_446] : memref<1x8192xf32, #tpu.memory_space<vmem>>, vector<1x512xf32>
    %dot_general3A_448 = arith.constant dense<0.000000e+00> : vector<1024x512xf32>
    %dot_general3A_449 = tpu.matmul %mul3A_3, %get3A_444, %dot_general3A_448 {dimension_numbers = #tpu.dot_dimension_numbers<[1], [1], [0], [0], [0, 0, 1, 0], [], []>, transpose_lhs_hint = false} : vector<1024x256xf32>, vector<512x256xf32>, vector<1024x512xf32> -> vector<1024x512xf32>
    %add3A_450 = vector.broadcast %get3A_6 : vector<1024x1xf32> to vector<1024x512xf32>
    %add3A_451 = vector.broadcast %get3A_447 : vector<1x512xf32> to vector<1024x512xf32>
    %add3A_452 = arith.addf %add3A_450, %add3A_451 : vector<1024x512xf32>
    %sub3A_453 = arith.subf %add3A_452, %dot_general3A_449 : vector<1024x512xf32>
    %reduce_min3A_454 = arith.constant dense<0x7F800000> : vector<1024xf32>
    %reduce_min3A_455 = vector.multi_reduction <minimumf>, %sub3A_453, %reduce_min3A_454 [1] : vector<1024x512xf32> to vector<1024xf32>
    %broadcast_in_dim3A_456 = vector.shape_cast %reduce_min3A_455 : vector<1024xf32> to vector<1024x1xf32>
    %eq3A_457 = vector.broadcast %broadcast_in_dim3A_456 : vector<1024x1xf32> to vector<1024x512xf32>
    %eq3A_458 = arith.cmpf oeq, %sub3A_453, %eq3A_457 : vector<1024x512xf32>
    %jit3A_459 = arith.constant 8.192000e+03 : f32
    %broadcast_in_dim3A_460 = vector.broadcast %jit3A_459 : f32 to vector<1024x512xf32>
    %select_n3A_461 = arith.select %eq3A_458, %convert_element_type3A, %broadcast_in_dim3A_460 : vector<1024x512xi1>, vector<1024x512xf32>
    %reduce_min3A_462 = arith.constant dense<0x7F800000> : vector<1024xf32>
    %reduce_min3A_463 = vector.multi_reduction <minimumf>, %select_n3A_461, %reduce_min3A_462 [1] : vector<1024x512xf32> to vector<1024xf32>
    %broadcast_in_dim3A_464 = vector.shape_cast %reduce_min3A_463 : vector<1024xf32> to vector<1024x1xf32>
    %add3A_465 = arith.constant 7.168000e+03 : f32
    %add3A_466 = vector.broadcast %add3A_465 : f32 to vector<1024x1xf32>
    %add3A_467 = arith.addf %broadcast_in_dim3A_464, %add3A_466 : vector<1024x1xf32>
    %lt3A_468 = arith.cmpf olt, %broadcast_in_dim3A_456, %select_n3A_440 : vector<1024x1xf32>
    %select_n3A_469 = arith.select %lt3A_468, %broadcast_in_dim3A_456, %select_n3A_440 : vector<1024x1xi1>, vector<1024x1xf32>
    %select_n3A_470 = arith.select %lt3A_468, %add3A_467, %select_n3A_441 : vector<1024x1xi1>, vector<1024x1xf32>
    %get3A_471 = arith.constant 7680 : index
    %get3A_472 = arith.constant 0 : index
    %get3A_473 = vector.load %arg2[%get3A_471, %get3A_472] : memref<8192x256xf32, #tpu.memory_space<vmem>>, vector<512x256xf32>
    %get3A_474 = arith.constant 0 : index
    %get3A_475 = arith.constant 7680 : index
    %get3A_476 = vector.load %arg4[%get3A_474, %get3A_475] : memref<1x8192xf32, #tpu.memory_space<vmem>>, vector<1x512xf32>
    %dot_general3A_477 = arith.constant dense<0.000000e+00> : vector<1024x512xf32>
    %dot_general3A_478 = tpu.matmul %mul3A_3, %get3A_473, %dot_general3A_477 {dimension_numbers = #tpu.dot_dimension_numbers<[1], [1], [0], [0], [0, 0, 1, 0], [], []>, transpose_lhs_hint = false} : vector<1024x256xf32>, vector<512x256xf32>, vector<1024x512xf32> -> vector<1024x512xf32>
    %add3A_479 = vector.broadcast %get3A_6 : vector<1024x1xf32> to vector<1024x512xf32>
    %add3A_480 = vector.broadcast %get3A_476 : vector<1x512xf32> to vector<1024x512xf32>
    %add3A_481 = arith.addf %add3A_479, %add3A_480 : vector<1024x512xf32>
    %sub3A_482 = arith.subf %add3A_481, %dot_general3A_478 : vector<1024x512xf32>
    %reduce_min3A_483 = arith.constant dense<0x7F800000> : vector<1024xf32>
    %reduce_min3A_484 = vector.multi_reduction <minimumf>, %sub3A_482, %reduce_min3A_483 [1] : vector<1024x512xf32> to vector<1024xf32>
    %broadcast_in_dim3A_485 = vector.shape_cast %reduce_min3A_484 : vector<1024xf32> to vector<1024x1xf32>
    %eq3A_486 = vector.broadcast %broadcast_in_dim3A_485 : vector<1024x1xf32> to vector<1024x512xf32>
    %eq3A_487 = arith.cmpf oeq, %sub3A_482, %eq3A_486 : vector<1024x512xf32>
    %jit3A_488 = arith.constant 8.192000e+03 : f32
    %broadcast_in_dim3A_489 = vector.broadcast %jit3A_488 : f32 to vector<1024x512xf32>
    %select_n3A_490 = arith.select %eq3A_487, %convert_element_type3A, %broadcast_in_dim3A_489 : vector<1024x512xi1>, vector<1024x512xf32>
    %reduce_min3A_491 = arith.constant dense<0x7F800000> : vector<1024xf32>
    %reduce_min3A_492 = vector.multi_reduction <minimumf>, %select_n3A_490, %reduce_min3A_491 [1] : vector<1024x512xf32> to vector<1024xf32>
    %broadcast_in_dim3A_493 = vector.shape_cast %reduce_min3A_492 : vector<1024xf32> to vector<1024x1xf32>
    %add3A_494 = arith.constant 7.680000e+03 : f32
    %add3A_495 = vector.broadcast %add3A_494 : f32 to vector<1024x1xf32>
    %add3A_496 = arith.addf %broadcast_in_dim3A_493, %add3A_495 : vector<1024x1xf32>
    %lt3A_497 = arith.cmpf olt, %broadcast_in_dim3A_485, %select_n3A_469 : vector<1024x1xf32>
    %select_n3A_498 = arith.select %lt3A_497, %broadcast_in_dim3A_485, %select_n3A_469 : vector<1024x1xi1>, vector<1024x1xf32>
    %select_n3A_499 = arith.select %lt3A_497, %add3A_496, %select_n3A_470 : vector<1024x1xi1>, vector<1024x1xf32>
    %convert_element_type3A_500 = arith.fptosi %select_n3A_499 : vector<1024x1xf32> to vector<1024x1xi32>
    %swap3A = arith.constant 0 : index
    %swap3A_501 = arith.constant 0 : index
    %swap3A_502 = vector.load %arg5[%swap3A, %swap3A_501] : memref<1024x1xi32, #tpu.memory_space<vmem>>, vector<1024x1xi32>
    tpu.vector_store %arg5[%swap3A, %swap3A_501], %convert_element_type3A_500 {strides = array<i32>} : memref<1024x1xi32, #tpu.memory_space<vmem>>, vector<1024x1xi32>,
    %eq3A_503 = arith.constant 0 : i32
    %eq3A_504 = arith.cmpi eq, %arg0, %eq3A_503 : i32
    %convert_element_type3A_505 = arith.extui %eq3A_504 : i1 to i32
    %cond3A = arith.constant 0 : i32
    %cond3A_506 = arith.cmpi ne, %convert_element_type3A_505, %cond3A : i32
    scf.if %cond3A_506 {
      %broadcast_in_dim3A_521 = arith.constant 0.000000e+00 : f32
      %broadcast_in_dim3A_522 = vector.broadcast %broadcast_in_dim3A_521 : f32 to vector<1x1xf32>
      %swap3A_523 = arith.constant 0 : index
      %swap3A_524 = arith.constant 0 : index
      %swap3A_525 = vector.load %arg6[%swap3A_523, %swap3A_524] : memref<1x1xf32, #tpu.memory_space<vmem>>, vector<1x1xf32>
      tpu.vector_store %arg6[%swap3A_523, %swap3A_524], %broadcast_in_dim3A_522 {strides = array<i32>} : memref<1x1xf32, #tpu.memory_space<vmem>>, vector<1x1xf32>,
    } else {
    }
    %get3A_507 = arith.constant 0 : index
    %get3A_508 = arith.constant 0 : index
    %get3A_509 = vector.load %arg6[%get3A_507, %get3A_508] : memref<1x1xf32, #tpu.memory_space<vmem>>, vector<1x1xf32>
    %reduce_sum3A = vector.shape_cast %select_n3A_498 : vector<1024x1xf32> to vector<1x1024x1xf32>
    %reduce_sum3A_510 = arith.constant dense<0.000000e+00> : vector<1xf32>
    %reduce_sum3A_511 = vector.multi_reduction <add>, %reduce_sum3A, %reduce_sum3A_510 [1, 2] : vector<1x1024x1xf32> to vector<1xf32>
    %reduce_sum3A_512 = vector.shape_cast %reduce_sum3A_511 : vector<1xf32> to vector<1x1x1xf32>
    %reduce_sum3A_513 = vector.extract %reduce_sum3A_512[0, 0, 0] : f32 from vector<1x1x1xf32>
    %mul3A_514 = arith.constant 2.38418579E-7 : f32
    %mul3A_515 = arith.mulf %reduce_sum3A_513, %mul3A_514 : f32
    %add3A_516 = vector.broadcast %mul3A_515 : f32 to vector<1x1xf32>
    %add3A_517 = arith.addf %get3A_509, %add3A_516 : vector<1x1xf32>
    %swap3A_518 = arith.constant 0 : index
    %swap3A_519 = arith.constant 0 : index
    %swap3A_520 = vector.load %arg6[%swap3A_518, %swap3A_519] : memref<1x1xf32, #tpu.memory_space<vmem>>, vector<1x1xf32>
    tpu.vector_store %arg6[%swap3A_518, %swap3A_519], %add3A_517 {strides = array<i32>} : memref<1x1xf32, #tpu.memory_space<vmem>>, vector<1x1xf32>,
    return
  }
  func.func @transform_0(%arg0: i32) -> (i32, i32) {
    %c0_i32 = arith.constant 0 : i32
    %c0_i32_0 = arith.constant 0 : i32
    return %arg0, %c0_i32 : i32, i32
  }
  func.func @transform_1(%arg0: i32) -> (i32, i32) {
    %c0_i32 = arith.constant 0 : i32
    %c0_i32_0 = arith.constant 0 : i32
    %c0_i32_1 = arith.constant 0 : i32
    return %c0_i32, %c0_i32_0 : i32, i32
  }
  func.func @transform_2(%arg0: i32) -> (i32, i32) {
    %c0_i32 = arith.constant 0 : i32
    %c0_i32_0 = arith.constant 0 : i32
    return %arg0, %c0_i32 : i32, i32
  }
  func.func @transform_3(%arg0: i32) -> (i32, i32) {
    %c0_i32 = arith.constant 0 : i32
    %c0_i32_0 = arith.constant 0 : i32
    %c0_i32_1 = arith.constant 0 : i32
    return %c0_i32, %c0_i32_0 : i32, i32
  }
  func.func @transform_4(%arg0: i32) -> (i32, i32) {
    %c0_i32 = arith.constant 0 : i32
    %c0_i32_0 = arith.constant 0 : i32
    return %arg0, %c0_i32 : i32, i32
  }
  func.func @transform_5(%arg0: i32) -> (i32, i32) {
    %c0_i32 = arith.constant 0 : i32
    %c0_i32_0 = arith.constant 0 : i32
    %c0_i32_1 = arith.constant 0 : i32
    return %c0_i32, %c0_i32_0 : i32, i32
  }
}

</mosaic_0001>

<sc_bundles>
// kernel: kernel.4.cloned.1.call-start
scs
__scs_entry_jumppad:
0x0: {  	(pc) =	sbr.rel $0x88, $3  }
0x1: {  	(tag) =	ssettag $0x0;
	lr =	simm.s32 $0x1  }
0x2: {  	[smem:$0x3F9F] =	sst lr;
	_ =	strace $0xD0000000  }
0x3: {  	_ = 	snop  }
0x4: {  	_ = 	snop  }
0x5: {  	_ = 	snop  }
0x6: {  	_ = 	snop  }
0x7: {  	_ = 	snop  }
__scs_overlays_trampoline_lowered:
0x8: {  	[smem:$0x3FAE] =	sst s0  }
0x9: {  	[smem:$0x3FAF] =	sst s1  }
0xa: {  	[smem:$0x3FB0] =	sst s2  }
0xb: {  	[smem:$0x3FB1] =	sst s3  }
0xc: {  	[smem:$0x3FB2] =	sst s4  }
0xd: {  	[smem:$0x3FB3] =	sst s5  }
0xe: {  	[smem:$0x3FB4] =	sst s6  }
0xf: {  	[smem:$0x3FB5] =	sst s7  }
0x10: {  	[smem:$0x3FB6] =	sst s8  }
0x11: {  	[smem:$0x3FB7] =	sst s9;
	s0 =	simm.s32 @!p0 $0x0  }
0x12: {  	s1 =	sld [smem:$0x3F9D];
	s0 =	simm.s32 @p0 $0x1  }
0x13: {  	[smem:$0x3FB8] =	sst s0;
	s0 =	simm.s32 @!p1 $0x0  }
0x14: {  	s2 =	sld [smem:$0x3F9C];
	s0 =	simm.s32 @p1 $0x1  }
0x15: {  	[smem:$0x3FB9] =	sst s0;
	s0 =	simm.s32 @!p2 $0x0  }
0x16: {  	s3 =	sld [smem:$0x3FDB];
	s0 =	simm.s32 @p2 $0x1  }
0x17: {  	s4 =	simm.s32 $0x1BF5;
	[smem:$0x3FBB] =	sst s0  }
0x18: {  	s0 =	sld [smem:$0x3F9E];
	_ =	swait.ge [sflag:s4], $0x0  }
0x19: {  	s7 =	sld [smem:$0x3F9F]  }
0x1a: {  	s8 =	sadd.s32 $0xFFFFE003, lr  }
0x1b: {  	s9 =	sadd.s32 $0xFFFFFEF7, lr;
	s5 =	simm.s32 $0xFFFFFFFF;
	p2 =	slt.u32 s8, $0xFFFFF086  }
0x1c: {  	p1 =	slt.u32 s9, $0xF7A;
	s5 =	simm.s32 @!p2 $0x0  }
0x1d: {  	s5 =	simm.s32 @p1 $0x1;
	p0 =	seq.s32 s7, s2  }
0x1e: {  	s7 =	smul.u32 @!p0 $0xF7A, s2;
	p2 =	seq.s32 @!p0 s5, $0x0  }
0x1f: {  	s9 =	smul.u32 $0xF7A, s1;
	s8 =	simm.s32 @!p0 $0x1BF5;
	p2 =	por !p2, p0  }
0x20: {  	[sflag:s8] =	ssyncset.s32 @!p0 $0xFFFFF086;
	s6 =	sadd.s32 @!p0 s3, s7;
	s7 =	simm.s32 @!p0 $0x108  }
0x21: {  	s3 =	sadd.s32 s3, s9;
	s6 =	sadd.s32 @!p0 $0x88, s6;
	s7 =	simm.s32 @p2 $0x1082  }
0x22: {  	[simem:s7], [sflag:s8] =	dma.local @!p0 [hbm:s6], $0xF7A  }
0x23: {  	s9 =	sor.u32 $0xD0000000, s2;
	s6 =	simm.s32 $0x108;
	_ =	swait.ge @!p0 [sflag:s8], $0x0  }
0x24: {  	s3 =	sadd.s32 $0x88, s3;
	s6 =	simm.s32 @!p1 $0x1082;
	[sflag:s4] =	ssyncset.s32 $0xFFFFF086  }
0x25: {  	[simem:s6], [sflag:s4] =	dma.local [hbm:s3], $0xF7A  }
0x26: {  	[smem:$0x3F9F] =	sst s1;
	(tag) =	ssettag s2;
	_ =	strace s9  }
0x27: {  	s1 =	sld [smem:$0x3FAF]  }
0x28: {  	s2 =	sld [smem:$0x3FB0]  }
0x29: {  	s4 =	sld [smem:$0x3FB2]  }
0x2a: {  	p0 =	seq.s32 s5, $0x0;
	s5 =	sld [smem:$0x3FB3]  }
0x2b: {  	s6 =	sld [smem:$0x3FB4]  }
0x2c: {  	s7 =	sld [smem:$0x3FB5]  }
0x2d: {  	s3 =	simm.s32 $0x108;
	s8 =	sld [smem:$0x3FB6]  }
0x2e: {  	s3 =	simm.s32 @!p0 $0x1082;
	s9 =	sld [smem:$0x3FB7]  }
0x2f: {  	lr =	sadd.s32 s0, s3;
	s0 =	sld [smem:$0x3FAE]  }
0x30: {  	s3 =	sld [smem:$0x3FB1]  }
0x31: {  	[smem:$0x3FBA] =	sst s10  }
0x32: {  	s10 =	sld [smem:$0x3FB8];
	_ =	sdelay $0x3  }
0x33: {  	p0 =	seq.s32 s10, $0x1;
	s10 =	sld [smem:$0x3FBA];
	_ =	sdelay $0x3  }
0x34: {  	[smem:$0x3FBA] =	sst s10  }
0x35: {  	s10 =	sld [smem:$0x3FB9];
	_ =	sdelay $0x3  }
0x36: {  	p1 =	seq.s32 s10, $0x1;
	s10 =	sld [smem:$0x3FBA];
	_ =	sdelay $0x3  }
0x37: {  	[smem:$0x3FBA] =	sst s10  }
0x38: {  	s10 =	sld [smem:$0x3FBB]  }
0x39: {  	_ = 	snop;
	(pc) =	sbr.ind lr, $3  }
0x3a: {  	_ = 	snop  }
0x3b: {  	_ = 	snop  }
0x3c: {  	p2 =	seq.s32 s10, $0x1;
	s10 =	sld [smem:$0x3FBA]  }
0x3d: {  	_ =	shalt  }
0x3e: {  	_ =	shalt  }
0x3f: {  	_ =	shalt  }
0x40: {  	_ =	shalt  }
0x41: {  	_ =	shalt  }
0x42: {  	_ =	shalt  }
0x43: {  	_ =	shalt  }
0x44: {  	_ =	shalt  }
0x45: {  	_ =	shalt  }
0x46: {  	_ =	shalt  }
0x47: {  	_ =	shalt  }
0x48: {  	_ =	shalt  }
0x49: {  	_ =	shalt  }
0x4a: {  	_ =	shalt  }
0x4b: {  	_ =	shalt  }
0x4c: {  	_ =	shalt  }
0x4d: {  	_ =	shalt  }
0x4e: {  	_ =	shalt  }
0x4f: {  	_ =	shalt  }
0x50: {  	_ =	shalt  }
0x51: {  	_ =	shalt  }
0x52: {  	_ =	shalt  }
0x53: {  	_ =	shalt  }
0x54: {  	_ =	shalt  }
0x55: {  	_ =	shalt  }
0x56: {  	_ =	shalt  }
0x57: {  	_ =	shalt  }
0x58: {  	_ =	shalt  }
0x59: {  	_ =	shalt  }
0x5a: {  	_ =	shalt  }
0x5b: {  	_ =	shalt  }
0x5c: {  	_ =	shalt  }
0x5d: {  	_ =	shalt  }
0x5e: {  	_ =	shalt  }
0x5f: {  	_ =	shalt  }
0x60: {  	_ =	shalt  }
0x61: {  	_ =	shalt  }
0x62: {  	_ =	shalt  }
0x63: {  	_ =	shalt  }
0x64: {  	_ =	shalt  }
0x65: {  	_ =	shalt  }
0x66: {  	_ =	shalt  }
0x67: {  	_ =	shalt  }
0x68: {  	_ =	shalt  }
0x69: {  	_ =	shalt  }
0x6a: {  	_ =	shalt  }
0x6b: {  	_ =	shalt  }
0x6c: {  	_ =	shalt  }
0x6d: {  	_ =	shalt  }
0x6e: {  	_ =	shalt  }
0x6f: {  	_ =	shalt  }
0x70: {  	_ =	shalt  }
0x71: {  	_ =	shalt  }
0x72: {  	_ =	shalt  }
0x73: {  	_ =	shalt  }
0x74: {  	_ =	shalt  }
0x75: {  	_ =	shalt  }
0x76: {  	_ =	shalt  }
0x77: {  	_ =	shalt  }
0x78: {  	_ =	shalt  }
0x79: {  	_ =	shalt  }
0x7a: {  	_ =	shalt  }
0x7b: {  	_ =	shalt  }
0x7c: {  	_ =	shalt  }
0x7d: {  	_ =	shalt  }
0x7e: {  	_ =	shalt  }
0x7f: {  	_ =	shalt  }
0x80: {  	_ =	shalt  }
0x81: {  	_ =	shalt  }
0x82: {  	_ =	shalt  }
0x83: {  	_ =	shalt  }
0x84: {  	_ =	shalt  }
0x85: {  	_ =	shalt  }
0x86: {  	_ =	shalt  }
0x87: {  	_ =	shalt  }
.Lfunc_end0:
.L_simem_size_0:
called_computation_lowered:
.L_overlay_start_0:
0x88: {  	s2 =	sld [smem:$0x3FD9]  }
0x89: {  	s3 =	sld [smem:$0x3FFE];
	_ =	sdelay $0x1  }
0x8a: {  	s1 =	srdreg.scid  }
0x8b: {  	s0 =	sand.u32 $0x1, s1  }
0x8c: {  	s14 =	sshll.u32 s0, $0xA;
	s2 =	sadd.s32 s3, s2  }
0x8d: {  	s2 =	sadd.s32 s2, s14  }
0x8e: {  	[smem:$0x3FC6] =	sst s2  }
0x8f: {  	_ = 	snop  }
0x90: {  	s2 =	sld [smem:$0x3FD0];
	_ =	sdelay $0x2  }
0x91: {  	s15 =	simm.s32 $0xA;
	s4 =	simm.s32 $0x10  }
0x92: {  	[smem:s4], [sflag:s15] =	dma.local [hbm:s2], $0x1  }
0x93: {  	_ =	swait.eq [sflag:s15], $0x1  }
0x94: {  	[sflag:s15] =	ssyncset.done $0x0  }
0x95: {  	[sflag:s15] =	ssyncadd.s32 $0xFFFFFFFF  }
0x96: {  	s16 =	sld [smem:$0x10];
	(tm) =	ssettm $0x1  }
0x97: {  	s17 =	sld [smem:$0x3FFB];
	_ =	sdelay $0x3  }
0x98: {  	_ =	strace s17  }
0x99: {  	s3 =	sld [smem:$0x3FFC];
	_ =	sdelay $0x3  }
0x9a: {  	_ =	strace s3  }
0x9b: {  	s3 =	sld [smem:$0x3FFD];
	_ =	sdelay $0x3  }
0x9c: {  	_ =	strace s3  }
0x9d: {  	_ =	strace $0x8FFFFFFF  }
0x9e: {  	s18 =	sld [smem:$0x3FDB];
	_ =	sdelay $0x1  }
0x9f: {  	s19 =	simm.s32 $_scs_section_size  }
0xa0: {  	s5 =	simm.s32 $_size__tile_overlayer_lowered;
	s6 =	simm.s32 $_tile_overlayer_lowered  }
0xa1: {  	s22 =	simm.s32 $0x1BFF;
	s21 =	sshll.u32 s6, $0x1;
	s3 =	sadd.s32 s19, s18  }
0xa2: {  	s7 =	simm.s32 $0x0;
	s20 =	sshll.u32 s5, $0x1;
	s5 =	sadd.s32 s21, s3  }
0xa3: {  	[timem:s7], [sflag:s22] =	dma.local [hbm:s5], s20  }
0xa4: {  	_ =	swait.ge [sflag:s22], s20  }
0xa5: {  	s4 =	ssub.s32 $0x0, s20;
	[sflag:s22] =	ssyncset.done $0x0  }
0xa6: {  	[sflag:s22] =	ssyncadd.s32 s4;
	_ =	sdelay $0x1  }
0xa7: {  	s23 =	simm.s32 $0x1B8B  }
0xa8: {  	_ =	swait.ge [sflag:s23], $0x1  }
0xa9: {  	[sflag:s23] =	ssyncset.done $0x0  }
0xaa: {  	s25 =	simm.s32 $0x1B8E;
	s24 =	sld [smem:$0x3FFE];
	[sflag:s23] =	ssyncadd.s32 $0xFFFFFFFF  }
0xab: {  	s26 =	simm.s32 $execute0_lowered;
	[smem:$0x3FD2] =	sst s25  }
0xac: {  	s5 =	sshll.u32 s26, $0x1;
	_ =	strace $0x80000046;
	[dreg:$0x1] =	wrdreg $0xFFFFFFFF  }
0xad: {  	s28 =	simm.s32 $_size_execute0_lowered;
	s3 =	sadd.s32 s3, s5;
	[dreg:$0x0] =	wrdreg $0x0  }
0xae: {  	s5 =	sshll.u32 s28, $0x1;
	[dreg:$0x2] =	wrdreg s3  }
0xaf: {  	[dreg:$0x3] =	wrdreg s5  }
0xb0: {  	[dreg:$0x4] =	wrdreg $0xC0  }
0xb1: {  	_ =	task [dreg:s7], $0x5FFFF  }
0xb2: {  	[dreg:$0x1] =	wrdreg $0xFFFFFFFF  }
0xb3: {  	[dreg:$0x0] =	wrdreg $0x60  }
0xb4: {  	[dreg:$0x2] =	wrdreg s16  }
0xb5: {  	[dreg:$0x3] =	wrdreg s24  }
0xb6: {  	[dreg:$0x4] =	wrdreg $0x9  }
0xb7: {  	_ =	task.clear_ibuf [dreg:s7], $0x5FFFF;
	_ =	strace $0x90000046  }
0xb8: {  	s29 =	simm.s32 $0x9;
	_ =	strace $0x80000048  }
0xb9: {  	_ =	swait.ge [sflag:s29], $0x1  }
0xba: {  	[sflag:s29] =	ssyncadd.s32 $0xFFFFFFFF  }
0xbb: {  	_ =	strace $0x90000048  }
0xbc: {  	_ =	sfence  }
0xbd: {  	s30 =	sld [smem:$0x0];
	_ =	sdelay $0x2  }
0xbe: {  	s31 =	sshll.u32 s1, $0xD;
	s1 =	sshrl.u32 s1, $0x2  }
0xbf: {  	s3 =	sand.u32 $0x4000, s31;
	s1 =	sadd.s32 s1, s30  }
0xc0: {  	s0 =	sor.u32 s3, s0;
	s1 =	sshll.u32 s1, $0x11  }
0xc1: {  	s0 =	sor.u32 s1, s0  }
0xc2: {  	s0 =	sadd.s32 $0x8F2B, s0  }
0xc3: {  	[sflag:s0] =	ssyncadd.remote.s32 $0x1  }
0xc4: {  	_ =	sfence.sel $0xFFFF  }
0xc5: {  	[dreg:$0x0] =	wrdreg $0xFFFFFFFF;
	(pc) =	sbr.abs _section_cstart, $3  }
0xc6: {  	[dreg:$0x1] =	wrdreg $0xFFFFFFFF  }
0xc7: {  	_ =	task.clear_ibuf [dreg:s7], $0x2FFFF;
	_ =	strace $0x9FFFFFFF  }
0xc8: {  	(tm) =	ssettm $0x7FFFFFFF  }
0xc9: {  	_ =	shalt  }
tec
execute0_lowered:
.L_overlay_start_1:
0x0: {  	(tag) =	ssettag $0x1  }
0x1: {  	s1 =	srdreg.scid  }
0x2: {  	s2 =	rddreg [dreg:$0x0];
	s0 =	stileid.u32;
	s10 =	sand.u32 $0x1, s1  }
0x3: {  	s9 =	rddreg [dreg:$0x1];
	s4 =	sshll.u32 s0, $0xA;
	s5 =	sshll.u32 s10, $0x9  }
0x4: {  	s3 =	simm.s32 $0x0;
	s1 =	rddreg [dreg:$0x2];
	s11 =	sor.u32 s5, s4  }
0x5: {  	[smem:$0x7FF] =	sst s3;
	s4 =	sshrl.u32 s11, $0x3  }
0x6: {  	_ =	strace $0x80000047;
	s5 =	sadd.s32 s9, s4;
	s4 =	simm.s32 $0x2  }
0x7: {  	[tilespmem:s3], [sflag:$0x2] =	stream.linear.gather [hbm4b:s5+s3], $0x200, $0x38;
	[tilespmem:$0x10200] =	vst v63  }
0x8: {  	_ =	swait.ge [sflag:s4], $0x200  }
0x9: {  	s6 =	simm.s32 $0x100;
	[sflag:s4] =	ssyncset.done $0x0  }
0xa: {  	s7 =	simm.s32 $0x200;
	s8 =	simm.s32 $0x1;
	[sflag:s4] =	ssyncadd.s32 $0xFFFFFE00  }
0xb: {  	[tilespmem:s7], [sflag:$0x1] =	stream.indirect.gather [hbm4b:s2+s6], $0x100, s3, s6, $0xb8;
	[tilespmem:$0x10200] =	vst v63  }
0xc: {  	s11 =	sshll.u32 s11, $0x5;
	_ =	swait.ge [sflag:s8], $0x10000  }
0xd: {  	s11 =	sadd.s32 s11, s9;
	[sflag:s8] =	ssyncset.done $0x0  }
0xe: {  	s10 =	ssub.s32 $0x2, s10;
	s9 =	sadd.s32 $0x800, s11;
	[sflag:s8] =	ssyncadd.s32 $0xFFFF0000  }
0xf: {  	[hbm4b:s9+s3] =	stream.linear.scatter [tilespmem:s7], [sflag:$0x2], $0x10000, $0x38;
	[tilespmem:$0x10200] =	vst v63  }
0x10: {  	s12 =	sshrl.u32 s10, $0x1;
	_ =	swait.ge [sflag:s4], $0x10000  }
0x11: {  	s12 =	ssub.s32 s10, s12;
	[sflag:s4] =	ssyncset.done $0x0  }
0x12: {  	s31 =	smax.u32 s12, $0x1;
	[sflag:s4] =	ssyncadd.s32 $0xFFFF0000  }
0x13: {  	[tilespmem:s7], [sflag:$0x1] =	stream.indirect.gather [hbm4b:s2+s6], $0x100, s6, s6, $0xb8;
	[tilespmem:$0x10200] =	vst v63  }
0x14: {  	p0 =	sne.s32 s31, $0x1;
	_ =	swait.ge [sflag:s8], $0x10000  }
.Ltmp0:
0x15: {  	[sflag:s8] =	ssyncset.done $0x0;
	(pc) =	sbr.rel @!p0 .LBB2_2-.Ltmp0, $4  }
0x16: {  	s10 =	sadd.s32 $0x2800, s11;
	[sflag:s8] =	ssyncadd.s32 $0xFFFF0000  }
0x17: {  	[hbm4b:s10+s3] =	stream.linear.scatter [tilespmem:s7], [sflag:$0x2], $0x10000, $0x38;
	[tilespmem:$0x10200] =	vst v63  }
0x18: {  	_ =	swait.ge [sflag:s4], $0x10000  }
0x19: {  	s11 =	sadd.s32 $0xFFFFFFFF, s31;
	[sflag:s4] =	ssyncset.done $0x0  }
.LBB2_1:
0x1a: {  	p0 =	sne.s32 s11, $0x1;
	s11 =	sadd.s32 $0xFFFFFFFF, s11;
	[sflag:s4] =	ssyncadd.s32 $0xFFFF0000  }
0x1b: {  	[tilespmem:s3], [sflag:$0x2] =	stream.linear.gather [hbm4b:s5+s3], $0x200, $0x38;
	[tilespmem:$0x10200] =	vst v63  }
0x1c: {  	_ =	swait.ge [sflag:s4], $0x200  }
0x1d: {  	[sflag:s4] =	ssyncset.done $0x0  }
0x1e: {  	[sflag:s4] =	ssyncadd.s32 $0xFFFFFE00  }
0x1f: {  	[tilespmem:s7], [sflag:$0x1] =	stream.indirect.gather [hbm4b:s2+s6], $0x100, s3, s6, $0xb8;
	[tilespmem:$0x10200] =	vst v63  }
0x20: {  	_ =	swait.ge [sflag:s8], $0x10000  }
0x21: {  	[sflag:s8] =	ssyncset.done $0x0  }
0x22: {  	[sflag:s8] =	ssyncadd.s32 $0xFFFF0000  }
0x23: {  	[hbm4b:s9+s3] =	stream.linear.scatter [tilespmem:s7], [sflag:$0x2], $0x10000, $0x38;
	[tilespmem:$0x10200] =	vst v63  }
0x24: {  	_ =	swait.ge [sflag:s4], $0x10000  }
0x25: {  	[sflag:s4] =	ssyncset.done $0x0  }
0x26: {  	[sflag:s4] =	ssyncadd.s32 $0xFFFF0000  }
0x27: {  	[tilespmem:s7], [sflag:$0x1] =	stream.indirect.gather [hbm4b:s2+s6], $0x100, s6, s6, $0xb8;
	[tilespmem:$0x10200] =	vst v63  }
0x28: {  	_ =	swait.ge [sflag:s8], $0x10000  }
.Ltmp1:
0x29: {  	[sflag:s8] =	ssyncset.done $0x0;
	(pc) =	sbr.rel @p0 .LBB2_1-.Ltmp1, $4  }
0x2a: {  	[sflag:s8] =	ssyncadd.s32 $0xFFFF0000  }
0x2b: {  	[hbm4b:s10+s3] =	stream.linear.scatter [tilespmem:s7], [sflag:$0x2], $0x10000, $0x38;
	[tilespmem:$0x10200] =	vst v63  }
0x2c: {  	_ =	swait.ge [sflag:s4], $0x10000  }
0x2d: {  	[sflag:s4] =	ssyncset.done $0x0  }
.LBB2_2:
0x2e: {  	[sflag:s4] =	ssyncadd.s32 $0xFFFF0000  }
0x2f: {  	_ =	sfence.sel $0x180000  }
0x30: {  	[bflag:$0x0] =	sbarrier.arrive $0xFFFF  }
0x31: {  	p0 =	sne.s32 s0, $0x0;
	_ =	strace $0x90000047  }
0x32: {  	s0 =	sadd.s32 @!p0 $0x100000, s1;
	[bflag:$0x2] =	sbarrier.arrive $0xFFFF  }
0x33: {  	[sflag:s0] =	ssyncadd.tile.s32 @!p0 $0x1;
	_ =	shalt  }
.Lfunc_end2:
_tile_overlayer_lowered:
.L_overlay_start_2:
0x34: {  	(tag) =	ssettag $0x2  }
0x35: {  	s0 =	rddreg [dreg:$0x0];
	s2 =	stileid.u32  }
0x36: {  	s1 =	rddreg [dreg:$0x1];
	p0 =	sne.s32 s2, $0x0  }
0x37: {  	s3 =	rddreg [dreg:$0x2];
	[bflag:$0x3] =	sbarrier.arrive $0xFFFF;
	s2 =	simm.s32 @!p0 $0x1C02  }
0x38: {  	[timem:s3], [sflag:s2] =	dma.local @!p0 [hbm:s0], s1  }
0x39: {  	s0 =	simm.s32 @!p0 $0x2  }
0x3a: {  	_ =	swait.ge @!p0 [sflag:s0], s1  }
0x3b: {  	s1 =	ssub.s32 @!p0 $0x0, s1;
	[sflag:s0] =	ssyncset.done @!p0 $0x0  }
0x3c: {  	[sflag:s0] =	ssyncadd.s32 @!p0 s1  }
0x3d: {  	[bflag:$0x3] =	sbarrier.arrive $0xFFFF  }
0x3e: {  	_ =	shalt  }

</sc_bundles>
